<compile_context>
chip_gen: v7x
topology: tpu7x:2x2x1
jax: 0.10.2.dev20260603
libtpu: 0.0.44.dev20260713+nightly
codegen_flags: <defaults>
</compile_context>

<pallas_src>
import functools

import jax
import jax.numpy as jnp
from jax import lax
from jax.experimental import pallas as pl
from jax.experimental.pallas import tpu as pltpu
from jax.experimental.pallas import tpu_sc as plsc

_NC = 2
_NS = 16
_NW = _NC * _NS

_CHUNK = 256
_NBUF = 4
_LAG = 2


@functools.partial(jax.jit, static_argnames=("n", "d"))
def _emb_lookup(idx, weight, *, n, d):
  per_w = n // _NW
  n_chunks = per_w // _CHUNK

  @functools.partial(
      pl.kernel,
      out_type=jax.ShapeDtypeStruct((n, 128), jnp.float32),
      mesh=plsc.VectorSubcoreMesh(core_axis_name="c", subcore_axis_name="s"),
      scratch_types=[
          pltpu.VMEM((per_w,), jnp.int32),
          pltpu.VMEM((_NBUF, _CHUNK, d), jnp.float32),
          [pltpu.SemaphoreType.DMA] * _NBUF,
          [pltpu.SemaphoreType.DMA] * _NBUF,
      ],
      compiler_params=pltpu.CompilerParams(use_tc_tiling_on_sc=False),
  )
  def k(table_hbm, idx_hbm, out_hbm, idx_v, rows_v, gsems, ssems):
    w = lax.axis_index("s") * _NC + lax.axis_index("c")
    base = w * per_w
    pltpu.sync_copy(idx_hbm.at[pl.ds(base, per_w)], idx_v)

    def wait_gather(b):
      pltpu.make_async_copy(table_hbm.at[pl.ds(0, _CHUNK)], rows_v.at[b],
                            gsems[b]).wait()

    def wait_store(b):
      pltpu.make_async_copy(rows_v.at[b],
                            out_hbm.at[pl.ds(0, _CHUNK), pl.ds(0, d)],
                            ssems[b]).wait()

    @pl.loop(0, n_chunks, step=_NBUF)
    def _(g):
      for b in range(_NBUF):
        c = g + b

        @pl.when(c >= _NBUF)
        def _():
          wait_store(b)

        pltpu.async_copy(table_hbm.at[idx_v.at[pl.ds(c * _CHUNK, _CHUNK)]],
                         rows_v.at[b], gsems[b])
        b2 = (b - _LAG) % _NBUF

        @pl.when(c >= _LAG)
        def _():
          wait_gather(b2)
          pltpu.async_copy(
              rows_v.at[b2],
              out_hbm.at[pl.ds(base + (c - _LAG) * _CHUNK, _CHUNK),
                         pl.ds(0, d)],
              ssems[b2])

    for i in range(_LAG):
      c = n_chunks - _LAG + i
      b = c % _NBUF
      wait_gather(b)
      pltpu.async_copy(rows_v.at[b],
                       out_hbm.at[pl.ds(base + c * _CHUNK, _CHUNK),
                                  pl.ds(0, d)], ssems[b])
    for b in range(_NBUF):
      wait_store(b)

  return k(weight, idx)


def kernel(x, weight):
  rows, seq = x.shape
  d = weight.shape[-1]
  idx = jnp.reshape(x.astype(jnp.int32), (-1,))
  out = _emb_lookup(idx, weight, n=rows * seq, d=d)
  return jnp.reshape(out[:, :d], (rows, seq, d))

# --- scband reference (transcript-rebuilt; emitter-appended) ---
"""Pipeline reference for scband-embedding-62259845923350 (READ-ONLY COPY).

The authoritative reference and input builder live on the scoring server;
editing this copy changes nothing except your own understanding.
"""

import jax, jax.numpy as jnp
import numpy as np

NUM_EMBEDDINGS = 1000000
EMBEDDING_DIM = 64

def setup_inputs(seed: int = 0) -> dict:
    key = jax.random.key(seed)
    k_idx, k_w = jax.random.split(key)
    x = jax.random.randint(k_idx, (4096, 200), 0, NUM_EMBEDDINGS, dtype=jnp.int64 if jax.config.jax_enable_x64 else jnp.int32)
    # trunc_normal init, mean=0, std=1, a=-3, b=3
    weight = jax.random.truncated_normal(k_w, -3.0, 3.0, (NUM_EMBEDDINGS, EMBEDDING_DIM), dtype=jnp.float32)
    return {"x": x, "weight": weight}

def reference(x, weight):
    # Embedding lookup: weight[x] -> [..., seq_len, embedding_dim]
    return jnp.take(weight, x, axis=0)

if __name__ == "__main__":
    import jax
    _d = setup_inputs()
    print(jax.jit(kernel)(*tuple(_d.values())))

</pallas_src>

<mosaic_0001>
#map = affine_map<(d0, d1) -> (0, 0)>
#map1 = affine_map<(d0, d1) -> (0)>
module attributes {stable_mosaic.version = 14 : i64} {
  func.func @k(%arg0: i32, %arg1: i32, %arg2: memref<1000000x64xf32, #tpu.memory_space<hbm>>, %arg3: memref<819200xi32, #tpu.memory_space<hbm>>, %arg4: memref<819200x128xf32, #tpu.memory_space<hbm>>, %arg5: memref<25600xi32, #tpu.memory_space<vmem>>, %arg6: memref<4x256x64xf32, #tpu.memory_space<vmem>>, %arg7: memref<!tpu.dma_semaphore, #tpu.memory_space<semaphore_mem>>, %arg8: memref<!tpu.dma_semaphore, #tpu.memory_space<semaphore_mem>>, %arg9: memref<!tpu.dma_semaphore, #tpu.memory_space<semaphore_mem>>, %arg10: memref<!tpu.dma_semaphore, #tpu.memory_space<semaphore_mem>>, %arg11: memref<!tpu.dma_semaphore, #tpu.memory_space<semaphore_mem>>, %arg12: memref<!tpu.dma_semaphore, #tpu.memory_space<semaphore_mem>>, %arg13: memref<!tpu.dma_semaphore, #tpu.memory_space<semaphore_mem>>, %arg14: memref<!tpu.dma_semaphore, #tpu.memory_space<semaphore_mem>>) attributes {dimension_semantics = [#tpu.dimension_semantics<core_parallel>, #tpu.dimension_semantics<subcore_parallel>], iteration_bounds = array<i64: 2, 16>, scalar_prefetch = 0 : i64, scratch_operands = 10 : i64, tpu.core_type = #tpu.core_type<sc_vector_subcore>, window_params = [{transform_indices = #map}, {transform_indices = #map1}, {transform_indices = #map}]} {
    %mul3A = arith.constant 2 : i32
    %mul3A_0 = arith.muli %arg1, %mul3A : i32
    %add3A = arith.addi %mul3A_0, %arg0 : i32
    %mul3A_1 = arith.constant 25600 : i32
    %mul3A_2 = arith.muli %add3A, %mul3A_1 : i32
    "tpu.region"() ({
      %run_scoped3A = tpu.sem_alloc : memref<!tpu.dma_semaphore, #tpu.memory_space<semaphore_mem>>
      %dma_start3A_125 = tpu.memref_slice %arg3[%mul3A_2] : memref<819200xi32, #tpu.memory_space<hbm>> -> memref<25600xi32, #tpu.memory_space<hbm>>
      %dma_start3A_126 = tpu.memref_slice %arg3[%mul3A_2] : memref<819200xi32, #tpu.memory_space<hbm>> -> memref<25600xi32, #tpu.memory_space<hbm>>
      tpu.enqueue_dma source(%dma_start3A_126 : memref<25600xi32, #tpu.memory_space<hbm>>) target(%arg5 : memref<25600xi32, #tpu.memory_space<vmem>>) target_semaphore(%run_scoped3A : memref<!tpu.dma_semaphore, #tpu.memory_space<semaphore_mem>>)
      %dma_wait3A_127 = tpu.memref_slice %arg3[%mul3A_2] : memref<819200xi32, #tpu.memory_space<hbm>> -> memref<25600xi32, #tpu.memory_space<hbm>>
      %dma_wait3A_128 = tpu.memref_slice %arg3[%mul3A_2] : memref<819200xi32, #tpu.memory_space<hbm>> -> memref<25600xi32, #tpu.memory_space<hbm>>
      tpu.wait_dma2 semaphore(%run_scoped3A : memref<!tpu.dma_semaphore, #tpu.memory_space<semaphore_mem>>) src(%dma_wait3A_128 : memref<25600xi32, #tpu.memory_space<hbm>>) dst(%arg5 : memref<25600xi32, #tpu.memory_space<vmem>>)
      tpu.yield
    }) : () -> ()
    %scan3A = arith.constant 0 : i32
    %scan3A_3 = arith.constant 25 : i32
    %scan3A_4 = arith.addi %scan3A, %scan3A_3 : i32
    %scan3A_5 = arith.constant 1 : i32
    scf.for %scan3A_125 = %scan3A to %scan3A_4 step %scan3A_5  : i32 {
      %mul3A_126 = arith.constant 4 : i32
      %mul3A_127 = arith.muli %scan3A_125, %mul3A_126 : i32
      %add3A_128 = arith.constant 0 : i32
      %add3A_129 = arith.addi %add3A_128, %mul3A_127 : i32
      %add3A_130 = arith.constant 0 : i32
      %add3A_131 = arith.addi %add3A_129, %add3A_130 : i32
      %ge3A = arith.constant 4 : i32
      %ge3A_132 = arith.cmpi sge, %add3A_131, %ge3A : i32
      %convert_element_type3A = arith.extui %ge3A_132 : i1 to i32
      %cond3A = arith.constant 0 : i32
      %cond3A_133 = arith.cmpi ne, %convert_element_type3A, %cond3A : i32
      scf.if %cond3A_133 {
        %dma_wait3A_219 = arith.constant 0 : i32
        %dma_wait3A_220 = arith.constant 0 : i32
        %dma_wait3A_221 = arith.constant 0 : i32
        %dma_wait3A_222 = tpu.memref_slice %arg6[%dma_wait3A_219, %dma_wait3A_220, %dma_wait3A_221] : memref<4x256x64xf32, #tpu.memory_space<vmem>> -> memref<1x256x64xf32, #tpu.memory_space<vmem>>
        %dma_wait3A_223 = tpu.memref_squeeze %dma_wait3A_222 : memref<1x256x64xf32, #tpu.memory_space<vmem>> -> memref<256x64xf32, #tpu.memory_space<vmem>>
        %dma_wait3A_224 = arith.constant 0 : i32
        %dma_wait3A_225 = arith.constant 0 : i32
        %dma_wait3A_226 = tpu.memref_slice %arg4[%dma_wait3A_224, %dma_wait3A_225] : memref<819200x128xf32, #tpu.memory_space<hbm>> -> memref<256x64xf32, #tpu.memory_space<hbm>>
        %dma_wait3A_227 = arith.constant 0 : i32
        %dma_wait3A_228 = arith.constant 0 : i32
        %dma_wait3A_229 = tpu.memref_slice %arg4[%dma_wait3A_227, %dma_wait3A_228] : memref<819200x128xf32, #tpu.memory_space<hbm>> -> memref<256x64xf32, #tpu.memory_space<hbm>>
        %dma_wait3A_230 = arith.constant 0 : i32
        %dma_wait3A_231 = arith.constant 0 : i32
        %dma_wait3A_232 = tpu.memref_slice %arg6[%dma_wait3A_219, %dma_wait3A_230, %dma_wait3A_231] : memref<4x256x64xf32, #tpu.memory_space<vmem>> -> memref<1x256x64xf32, #tpu.memory_space<vmem>>
        %dma_wait3A_233 = tpu.memref_squeeze %dma_wait3A_232 : memref<1x256x64xf32, #tpu.memory_space<vmem>> -> memref<256x64xf32, #tpu.memory_space<vmem>>
        tpu.wait_dma2 semaphore(%arg11 : memref<!tpu.dma_semaphore, #tpu.memory_space<semaphore_mem>>) src(%dma_wait3A_233 : memref<256x64xf32, #tpu.memory_space<vmem>>) dst(%dma_wait3A_229 : memref<256x64xf32, #tpu.memory_space<hbm>>)
      } else {
      }
      %mul3A_134 = arith.constant 256 : i32
      %mul3A_135 = arith.muli %add3A_131, %mul3A_134 : i32
      %dma_start3A_136 = arith.constant 0 : i32
      %dma_start3A_137 = arith.constant 0 : i32
      %dma_start3A_138 = arith.constant 0 : i32
      %dma_start3A_139 = tpu.memref_slice %arg6[%dma_start3A_136, %dma_start3A_137, %dma_start3A_138] : memref<4x256x64xf32, #tpu.memory_space<vmem>> -> memref<1x256x64xf32, #tpu.memory_space<vmem>>
      %dma_start3A_140 = tpu.memref_squeeze %dma_start3A_139 : memref<1x256x64xf32, #tpu.memory_space<vmem>> -> memref<256x64xf32, #tpu.memory_space<vmem>>
      %dma_start3A_141 = tpu.memref_slice %arg5[%mul3A_135] : memref<25600xi32, #tpu.memory_space<vmem>> -> memref<256xi32, #tpu.memory_space<vmem>>
      %dma_start3A_142 = arith.constant 0 : i32
      %dma_start3A_143 = arith.constant 0 : i32
      %dma_start3A_144 = tpu.memref_slice %arg2[%dma_start3A_142, %dma_start3A_143] : memref<1000000x64xf32, #tpu.memory_space<hbm>> -> memref<1000000x64xf32, #tpu.memory_space<hbm>>
      tpu.enqueue_indirect_dma source(%dma_start3A_144 : memref<1000000x64xf32, #tpu.memory_space<hbm>>) target(%dma_start3A_140 : memref<256x64xf32, #tpu.memory_space<vmem>>) offsets(%dma_start3A_141 : memref<256xi32, #tpu.memory_space<vmem>>) semaphore(%arg7 : memref<!tpu.dma_semaphore, #tpu.memory_space<semaphore_mem>>)
      %ge3A_145 = arith.constant 2 : i32
      %ge3A_146 = arith.cmpi sge, %add3A_131, %ge3A_145 : i32
      %convert_element_type3A_147 = arith.extui %ge3A_146 : i1 to i32
      %cond3A_148 = arith.constant 0 : i32
      %cond3A_149 = arith.cmpi ne, %convert_element_type3A_147, %cond3A_148 : i32
      scf.if %cond3A_149 {
        %dma_wait3A_219 = arith.constant 2 : i32
        %dma_wait3A_220 = arith.constant 0 : i32
        %dma_wait3A_221 = arith.constant 0 : i32
        %dma_wait3A_222 = tpu.memref_slice %arg6[%dma_wait3A_219, %dma_wait3A_220, %dma_wait3A_221] : memref<4x256x64xf32, #tpu.memory_space<vmem>> -> memref<1x256x64xf32, #tpu.memory_space<vmem>>
        %dma_wait3A_223 = tpu.memref_squeeze %dma_wait3A_222 : memref<1x256x64xf32, #tpu.memory_space<vmem>> -> memref<256x64xf32, #tpu.memory_space<vmem>>
        %dma_wait3A_224 = arith.constant 0 : i32
        %dma_wait3A_225 = arith.constant 0 : i32
        %dma_wait3A_226 = tpu.memref_slice %arg2[%dma_wait3A_224, %dma_wait3A_225] : memref<1000000x64xf32, #tpu.memory_space<hbm>> -> memref<256x64xf32, #tpu.memory_space<hbm>>
        %dma_wait3A_227 = arith.constant 0 : i32
        %dma_wait3A_228 = arith.constant 0 : i32
        %dma_wait3A_229 = tpu.memref_slice %arg6[%dma_wait3A_219, %dma_wait3A_227, %dma_wait3A_228] : memref<4x256x64xf32, #tpu.memory_space<vmem>> -> memref<1x256x64xf32, #tpu.memory_space<vmem>>
        %dma_wait3A_230 = tpu.memref_squeeze %dma_wait3A_229 : memref<1x256x64xf32, #tpu.memory_space<vmem>> -> memref<256x64xf32, #tpu.memory_space<vmem>>
        %dma_wait3A_231 = arith.constant 0 : i32
        %dma_wait3A_232 = arith.constant 0 : i32
        %dma_wait3A_233 = tpu.memref_slice %arg2[%dma_wait3A_231, %dma_wait3A_232] : memref<1000000x64xf32, #tpu.memory_space<hbm>> -> memref<256x64xf32, #tpu.memory_space<hbm>>
        tpu.wait_dma2 semaphore(%arg9 : memref<!tpu.dma_semaphore, #tpu.memory_space<semaphore_mem>>) src(%dma_wait3A_233 : memref<256x64xf32, #tpu.memory_space<hbm>>) dst(%dma_wait3A_230 : memref<256x64xf32, #tpu.memory_space<vmem>>)
        %sub3A = arith.constant 2 : i32
        %sub3A_234 = arith.subi %add3A_131, %sub3A : i32
        %mul3A_235 = arith.constant 256 : i32
        %mul3A_236 = arith.muli %sub3A_234, %mul3A_235 : i32
        %add3A_237 = arith.addi %mul3A_2, %mul3A_236 : i32
        %dma_start3A_238 = arith.constant 2 : i32
        %dma_start3A_239 = arith.constant 0 : i32
        %dma_start3A_240 = arith.constant 0 : i32
        %dma_start3A_241 = tpu.memref_slice %arg6[%dma_start3A_238, %dma_start3A_239, %dma_start3A_240] : memref<4x256x64xf32, #tpu.memory_space<vmem>> -> memref<1x256x64xf32, #tpu.memory_space<vmem>>
        %dma_start3A_242 = tpu.memref_squeeze %dma_start3A_241 : memref<1x256x64xf32, #tpu.memory_space<vmem>> -> memref<256x64xf32, #tpu.memory_space<vmem>>
        %dma_start3A_243 = arith.constant 0 : i32
        %dma_start3A_244 = tpu.memref_slice %arg4[%add3A_237, %dma_start3A_243] : memref<819200x128xf32, #tpu.memory_space<hbm>> -> memref<256x64xf32, #tpu.memory_space<hbm>>
        %dma_start3A_245 = arith.constant 0 : i32
        %dma_start3A_246 = tpu.memref_slice %arg4[%add3A_237, %dma_start3A_245] : memref<819200x128xf32, #tpu.memory_space<hbm>> -> memref<256x64xf32, #tpu.memory_space<hbm>>
        %dma_start3A_247 = arith.constant 0 : i32
        %dma_start3A_248 = arith.constant 0 : i32
        %dma_start3A_249 = tpu.memref_slice %arg6[%dma_start3A_238, %dma_start3A_247, %dma_start3A_248] : memref<4x256x64xf32, #tpu.memory_space<vmem>> -> memref<1x256x64xf32, #tpu.memory_space<vmem>>
        %dma_start3A_250 = tpu.memref_squeeze %dma_start3A_249 : memref<1x256x64xf32, #tpu.memory_space<vmem>> -> memref<256x64xf32, #tpu.memory_space<vmem>>
        tpu.enqueue_dma source(%dma_start3A_250 : memref<256x64xf32, #tpu.memory_space<vmem>>) target(%dma_start3A_246 : memref<256x64xf32, #tpu.memory_space<hbm>>) target_semaphore(%arg13 : memref<!tpu.dma_semaphore, #tpu.memory_space<semaphore_mem>>)
      } else {
      }
      %add3A_150 = arith.constant 1 : i32
      %add3A_151 = arith.addi %add3A_129, %add3A_150 : i32
      %ge3A_152 = arith.constant 4 : i32
      %ge3A_153 = arith.cmpi sge, %add3A_151, %ge3A_152 : i32
      %convert_element_type3A_154 = arith.extui %ge3A_153 : i1 to i32
      %cond3A_155 = arith.constant 0 : i32
      %cond3A_156 = arith.cmpi ne, %convert_element_type3A_154, %cond3A_155 : i32
      scf.if %cond3A_156 {
        %dma_wait3A_219 = arith.constant 1 : i32
        %dma_wait3A_220 = arith.constant 0 : i32
        %dma_wait3A_221 = arith.constant 0 : i32
        %dma_wait3A_222 = tpu.memref_slice %arg6[%dma_wait3A_219, %dma_wait3A_220, %dma_wait3A_221] : memref<4x256x64xf32, #tpu.memory_space<vmem>> -> memref<1x256x64xf32, #tpu.memory_space<vmem>>
        %dma_wait3A_223 = tpu.memref_squeeze %dma_wait3A_222 : memref<1x256x64xf32, #tpu.memory_space<vmem>> -> memref<256x64xf32, #tpu.memory_space<vmem>>
        %dma_wait3A_224 = arith.constant 0 : i32
        %dma_wait3A_225 = arith.constant 0 : i32
        %dma_wait3A_226 = tpu.memref_slice %arg4[%dma_wait3A_224, %dma_wait3A_225] : memref<819200x128xf32, #tpu.memory_space<hbm>> -> memref<256x64xf32, #tpu.memory_space<hbm>>
        %dma_wait3A_227 = arith.constant 0 : i32
        %dma_wait3A_228 = arith.constant 0 : i32
        %dma_wait3A_229 = tpu.memref_slice %arg4[%dma_wait3A_227, %dma_wait3A_228] : memref<819200x128xf32, #tpu.memory_space<hbm>> -> memref<256x64xf32, #tpu.memory_space<hbm>>
        %dma_wait3A_230 = arith.constant 0 : i32
        %dma_wait3A_231 = arith.constant 0 : i32
        %dma_wait3A_232 = tpu.memref_slice %arg6[%dma_wait3A_219, %dma_wait3A_230, %dma_wait3A_231] : memref<4x256x64xf32, #tpu.memory_space<vmem>> -> memref<1x256x64xf32, #tpu.memory_space<vmem>>
        %dma_wait3A_233 = tpu.memref_squeeze %dma_wait3A_232 : memref<1x256x64xf32, #tpu.memory_space<vmem>> -> memref<256x64xf32, #tpu.memory_space<vmem>>
        tpu.wait_dma2 semaphore(%arg12 : memref<!tpu.dma_semaphore, #tpu.memory_space<semaphore_mem>>) src(%dma_wait3A_233 : memref<256x64xf32, #tpu.memory_space<vmem>>) dst(%dma_wait3A_229 : memref<256x64xf32, #tpu.memory_space<hbm>>)
      } else {
      }
      %mul3A_157 = arith.constant 256 : i32
      %mul3A_158 = arith.muli %add3A_151, %mul3A_157 : i32
      %dma_start3A_159 = arith.constant 1 : i32
      %dma_start3A_160 = arith.constant 0 : i32
      %dma_start3A_161 = arith.constant 0 : i32
      %dma_start3A_162 = tpu.memref_slice %arg6[%dma_start3A_159, %dma_start3A_160, %dma_start3A_161] : memref<4x256x64xf32, #tpu.memory_space<vmem>> -> memref<1x256x64xf32, #tpu.memory_space<vmem>>
      %dma_start3A_163 = tpu.memref_squeeze %dma_start3A_162 : memref<1x256x64xf32, #tpu.memory_space<vmem>> -> memref<256x64xf32, #tpu.memory_space<vmem>>
      %dma_start3A_164 = tpu.memref_slice %arg5[%mul3A_158] : memref<25600xi32, #tpu.memory_space<vmem>> -> memref<256xi32, #tpu.memory_space<vmem>>
      %dma_start3A_165 = arith.constant 0 : i32
      %dma_start3A_166 = arith.constant 0 : i32
      %dma_start3A_167 = tpu.memref_slice %arg2[%dma_start3A_165, %dma_start3A_166] : memref<1000000x64xf32, #tpu.memory_space<hbm>> -> memref<1000000x64xf32, #tpu.memory_space<hbm>>
      tpu.enqueue_indirect_dma source(%dma_start3A_167 : memref<1000000x64xf32, #tpu.memory_space<hbm>>) target(%dma_start3A_163 : memref<256x64xf32, #tpu.memory_space<vmem>>) offsets(%dma_start3A_164 : memref<256xi32, #tpu.memory_space<vmem>>) semaphore(%arg8 : memref<!tpu.dma_semaphore, #tpu.memory_space<semaphore_mem>>)
      %ge3A_168 = arith.constant 2 : i32
      %ge3A_169 = arith.cmpi sge, %add3A_151, %ge3A_168 : i32
      %convert_element_type3A_170 = arith.extui %ge3A_169 : i1 to i32
      %cond3A_171 = arith.constant 0 : i32
      %cond3A_172 = arith.cmpi ne, %convert_element_type3A_170, %cond3A_171 : i32
      scf.if %cond3A_172 {
        %dma_wait3A_219 = arith.constant 3 : i32
        %dma_wait3A_220 = arith.constant 0 : i32
        %dma_wait3A_221 = arith.constant 0 : i32
        %dma_wait3A_222 = tpu.memref_slice %arg6[%dma_wait3A_219, %dma_wait3A_220, %dma_wait3A_221] : memref<4x256x64xf32, #tpu.memory_space<vmem>> -> memref<1x256x64xf32, #tpu.memory_space<vmem>>
        %dma_wait3A_223 = tpu.memref_squeeze %dma_wait3A_222 : memref<1x256x64xf32, #tpu.memory_space<vmem>> -> memref<256x64xf32, #tpu.memory_space<vmem>>
        %dma_wait3A_224 = arith.constant 0 : i32
        %dma_wait3A_225 = arith.constant 0 : i32
        %dma_wait3A_226 = tpu.memref_slice %arg2[%dma_wait3A_224, %dma_wait3A_225] : memref<1000000x64xf32, #tpu.memory_space<hbm>> -> memref<256x64xf32, #tpu.memory_space<hbm>>
        %dma_wait3A_227 = arith.constant 0 : i32
        %dma_wait3A_228 = arith.constant 0 : i32
        %dma_wait3A_229 = tpu.memref_slice %arg6[%dma_wait3A_219, %dma_wait3A_227, %dma_wait3A_228] : memref<4x256x64xf32, #tpu.memory_space<vmem>> -> memref<1x256x64xf32, #tpu.memory_space<vmem>>
        %dma_wait3A_230 = tpu.memref_squeeze %dma_wait3A_229 : memref<1x256x64xf32, #tpu.memory_space<vmem>> -> memref<256x64xf32, #tpu.memory_space<vmem>>
        %dma_wait3A_231 = arith.constant 0 : i32
        %dma_wait3A_232 = arith.constant 0 : i32
        %dma_wait3A_233 = tpu.memref_slice %arg2[%dma_wait3A_231, %dma_wait3A_232] : memref<1000000x64xf32, #tpu.memory_space<hbm>> -> memref<256x64xf32, #tpu.memory_space<hbm>>
        tpu.wait_dma2 semaphore(%arg10 : memref<!tpu.dma_semaphore, #tpu.memory_space<semaphore_mem>>) src(%dma_wait3A_233 : memref<256x64xf32, #tpu.memory_space<hbm>>) dst(%dma_wait3A_230 : memref<256x64xf32, #tpu.memory_space<vmem>>)
        %sub3A = arith.constant 2 : i32
        %sub3A_234 = arith.subi %add3A_151, %sub3A : i32
        %mul3A_235 = arith.constant 256 : i32
        %mul3A_236 = arith.muli %sub3A_234, %mul3A_235 : i32
        %add3A_237 = arith.addi %mul3A_2, %mul3A_236 : i32
        %dma_start3A_238 = arith.constant 3 : i32
        %dma_start3A_239 = arith.constant 0 : i32
        %dma_start3A_240 = arith.constant 0 : i32
        %dma_start3A_241 = tpu.memref_slice %arg6[%dma_start3A_238, %dma_start3A_239, %dma_start3A_240] : memref<4x256x64xf32, #tpu.memory_space<vmem>> -> memref<1x256x64xf32, #tpu.memory_space<vmem>>
        %dma_start3A_242 = tpu.memref_squeeze %dma_start3A_241 : memref<1x256x64xf32, #tpu.memory_space<vmem>> -> memref<256x64xf32, #tpu.memory_space<vmem>>
        %dma_start3A_243 = arith.constant 0 : i32
        %dma_start3A_244 = tpu.memref_slice %arg4[%add3A_237, %dma_start3A_243] : memref<819200x128xf32, #tpu.memory_space<hbm>> -> memref<256x64xf32, #tpu.memory_space<hbm>>
        %dma_start3A_245 = arith.constant 0 : i32
        %dma_start3A_246 = tpu.memref_slice %arg4[%add3A_237, %dma_start3A_245] : memref<819200x128xf32, #tpu.memory_space<hbm>> -> memref<256x64xf32, #tpu.memory_space<hbm>>
        %dma_start3A_247 = arith.constant 0 : i32
        %dma_start3A_248 = arith.constant 0 : i32
        %dma_start3A_249 = tpu.memref_slice %arg6[%dma_start3A_238, %dma_start3A_247, %dma_start3A_248] : memref<4x256x64xf32, #tpu.memory_space<vmem>> -> memref<1x256x64xf32, #tpu.memory_space<vmem>>
        %dma_start3A_250 = tpu.memref_squeeze %dma_start3A_249 : memref<1x256x64xf32, #tpu.memory_space<vmem>> -> memref<256x64xf32, #tpu.memory_space<vmem>>
        tpu.enqueue_dma source(%dma_start3A_250 : memref<256x64xf32, #tpu.memory_space<vmem>>) target(%dma_start3A_246 : memref<256x64xf32, #tpu.memory_space<hbm>>) target_semaphore(%arg14 : memref<!tpu.dma_semaphore, #tpu.memory_space<semaphore_mem>>)
      } else {
      }
      %add3A_173 = arith.constant 2 : i32
      %add3A_174 = arith.addi %add3A_129, %add3A_173 : i32
      %ge3A_175 = arith.constant 4 : i32
      %ge3A_176 = arith.cmpi sge, %add3A_174, %ge3A_175 : i32
      %convert_element_type3A_177 = arith.extui %ge3A_176 : i1 to i32
      %cond3A_178 = arith.constant 0 : i32
      %cond3A_179 = arith.cmpi ne, %convert_element_type3A_177, %cond3A_178 : i32
      scf.if %cond3A_179 {
        %dma_wait3A_219 = arith.constant 2 : i32
        %dma_wait3A_220 = arith.constant 0 : i32
        %dma_wait3A_221 = arith.constant 0 : i32
        %dma_wait3A_222 = tpu.memref_slice %arg6[%dma_wait3A_219, %dma_wait3A_220, %dma_wait3A_221] : memref<4x256x64xf32, #tpu.memory_space<vmem>> -> memref<1x256x64xf32, #tpu.memory_space<vmem>>
        %dma_wait3A_223 = tpu.memref_squeeze %dma_wait3A_222 : memref<1x256x64xf32, #tpu.memory_space<vmem>> -> memref<256x64xf32, #tpu.memory_space<vmem>>
        %dma_wait3A_224 = arith.constant 0 : i32
        %dma_wait3A_225 = arith.constant 0 : i32
        %dma_wait3A_226 = tpu.memref_slice %arg4[%dma_wait3A_224, %dma_wait3A_225] : memref<819200x128xf32, #tpu.memory_space<hbm>> -> memref<256x64xf32, #tpu.memory_space<hbm>>
        %dma_wait3A_227 = arith.constant 0 : i32
        %dma_wait3A_228 = arith.constant 0 : i32
        %dma_wait3A_229 = tpu.memref_slice %arg4[%dma_wait3A_227, %dma_wait3A_228] : memref<819200x128xf32, #tpu.memory_space<hbm>> -> memref<256x64xf32, #tpu.memory_space<hbm>>
        %dma_wait3A_230 = arith.constant 0 : i32
        %dma_wait3A_231 = arith.constant 0 : i32
        %dma_wait3A_232 = tpu.memref_slice %arg6[%dma_wait3A_219, %dma_wait3A_230, %dma_wait3A_231] : memref<4x256x64xf32, #tpu.memory_space<vmem>> -> memref<1x256x64xf32, #tpu.memory_space<vmem>>
        %dma_wait3A_233 = tpu.memref_squeeze %dma_wait3A_232 : memref<1x256x64xf32, #tpu.memory_space<vmem>> -> memref<256x64xf32, #tpu.memory_space<vmem>>
        tpu.wait_dma2 semaphore(%arg13 : memref<!tpu.dma_semaphore, #tpu.memory_space<semaphore_mem>>) src(%dma_wait3A_233 : memref<256x64xf32, #tpu.memory_space<vmem>>) dst(%dma_wait3A_229 : memref<256x64xf32, #tpu.memory_space<hbm>>)
      } else {
      }
      %mul3A_180 = arith.constant 256 : i32
      %mul3A_181 = arith.muli %add3A_174, %mul3A_180 : i32
      %dma_start3A_182 = arith.constant 2 : i32
      %dma_start3A_183 = arith.constant 0 : i32
      %dma_start3A_184 = arith.constant 0 : i32
      %dma_start3A_185 = tpu.memref_slice %arg6[%dma_start3A_182, %dma_start3A_183, %dma_start3A_184] : memref<4x256x64xf32, #tpu.memory_space<vmem>> -> memref<1x256x64xf32, #tpu.memory_space<vmem>>
      %dma_start3A_186 = tpu.memref_squeeze %dma_start3A_185 : memref<1x256x64xf32, #tpu.memory_space<vmem>> -> memref<256x64xf32, #tpu.memory_space<vmem>>
      %dma_start3A_187 = tpu.memref_slice %arg5[%mul3A_181] : memref<25600xi32, #tpu.memory_space<vmem>> -> memref<256xi32, #tpu.memory_space<vmem>>
      %dma_start3A_188 = arith.constant 0 : i32
      %dma_start3A_189 = arith.constant 0 : i32
      %dma_start3A_190 = tpu.memref_slice %arg2[%dma_start3A_188, %dma_start3A_189] : memref<1000000x64xf32, #tpu.memory_space<hbm>> -> memref<1000000x64xf32, #tpu.memory_space<hbm>>
      tpu.enqueue_indirect_dma source(%dma_start3A_190 : memref<1000000x64xf32, #tpu.memory_space<hbm>>) target(%dma_start3A_186 : memref<256x64xf32, #tpu.memory_space<vmem>>) offsets(%dma_start3A_187 : memref<256xi32, #tpu.memory_space<vmem>>) semaphore(%arg9 : memref<!tpu.dma_semaphore, #tpu.memory_space<semaphore_mem>>)
      %ge3A_191 = arith.constant 2 : i32
      %ge3A_192 = arith.cmpi sge, %add3A_174, %ge3A_191 : i32
      %convert_element_type3A_193 = arith.extui %ge3A_192 : i1 to i32
      %cond3A_194 = arith.constant 0 : i32
      %cond3A_195 = arith.cmpi ne, %convert_element_type3A_193, %cond3A_194 : i32
      scf.if %cond3A_195 {
        %dma_wait3A_219 = arith.constant 0 : i32
        %dma_wait3A_220 = arith.constant 0 : i32
        %dma_wait3A_221 = arith.constant 0 : i32
        %dma_wait3A_222 = tpu.memref_slice %arg6[%dma_wait3A_219, %dma_wait3A_220, %dma_wait3A_221] : memref<4x256x64xf32, #tpu.memory_space<vmem>> -> memref<1x256x64xf32, #tpu.memory_space<vmem>>
        %dma_wait3A_223 = tpu.memref_squeeze %dma_wait3A_222 : memref<1x256x64xf32, #tpu.memory_space<vmem>> -> memref<256x64xf32, #tpu.memory_space<vmem>>
        %dma_wait3A_224 = arith.constant 0 : i32
        %dma_wait3A_225 = arith.constant 0 : i32
        %dma_wait3A_226 = tpu.memref_slice %arg2[%dma_wait3A_224, %dma_wait3A_225] : memref<1000000x64xf32, #tpu.memory_space<hbm>> -> memref<256x64xf32, #tpu.memory_space<hbm>>
        %dma_wait3A_227 = arith.constant 0 : i32
        %dma_wait3A_228 = arith.constant 0 : i32
        %dma_wait3A_229 = tpu.memref_slice %arg6[%dma_wait3A_219, %dma_wait3A_227, %dma_wait3A_228] : memref<4x256x64xf32, #tpu.memory_space<vmem>> -> memref<1x256x64xf32, #tpu.memory_space<vmem>>
        %dma_wait3A_230 = tpu.memref_squeeze %dma_wait3A_229 : memref<1x256x64xf32, #tpu.memory_space<vmem>> -> memref<256x64xf32, #tpu.memory_space<vmem>>
        %dma_wait3A_231 = arith.constant 0 : i32
        %dma_wait3A_232 = arith.constant 0 : i32
        %dma_wait3A_233 = tpu.memref_slice %arg2[%dma_wait3A_231, %dma_wait3A_232] : memref<1000000x64xf32, #tpu.memory_space<hbm>> -> memref<256x64xf32, #tpu.memory_space<hbm>>
        tpu.wait_dma2 semaphore(%arg7 : memref<!tpu.dma_semaphore, #tpu.memory_space<semaphore_mem>>) src(%dma_wait3A_233 : memref<256x64xf32, #tpu.memory_space<hbm>>) dst(%dma_wait3A_230 : memref<256x64xf32, #tpu.memory_space<vmem>>)
        %sub3A = arith.constant 2 : i32
        %sub3A_234 = arith.subi %add3A_174, %sub3A : i32
        %mul3A_235 = arith.constant 256 : i32
        %mul3A_236 = arith.muli %sub3A_234, %mul3A_235 : i32
        %add3A_237 = arith.addi %mul3A_2, %mul3A_236 : i32
        %dma_start3A_238 = arith.constant 0 : i32
        %dma_start3A_239 = arith.constant 0 : i32
        %dma_start3A_240 = arith.constant 0 : i32
        %dma_start3A_241 = tpu.memref_slice %arg6[%dma_start3A_238, %dma_start3A_239, %dma_start3A_240] : memref<4x256x64xf32, #tpu.memory_space<vmem>> -> memref<1x256x64xf32, #tpu.memory_space<vmem>>
        %dma_start3A_242 = tpu.memref_squeeze %dma_start3A_241 : memref<1x256x64xf32, #tpu.memory_space<vmem>> -> memref<256x64xf32, #tpu.memory_space<vmem>>
        %dma_start3A_243 = arith.constant 0 : i32
        %dma_start3A_244 = tpu.memref_slice %arg4[%add3A_237, %dma_start3A_243] : memref<819200x128xf32, #tpu.memory_space<hbm>> -> memref<256x64xf32, #tpu.memory_space<hbm>>
        %dma_start3A_245 = arith.constant 0 : i32
        %dma_start3A_246 = tpu.memref_slice %arg4[%add3A_237, %dma_start3A_245] : memref<819200x128xf32, #tpu.memory_space<hbm>> -> memref<256x64xf32, #tpu.memory_space<hbm>>
        %dma_start3A_247 = arith.constant 0 : i32
        %dma_start3A_248 = arith.constant 0 : i32
        %dma_start3A_249 = tpu.memref_slice %arg6[%dma_start3A_238, %dma_start3A_247, %dma_start3A_248] : memref<4x256x64xf32, #tpu.memory_space<vmem>> -> memref<1x256x64xf32, #tpu.memory_space<vmem>>
        %dma_start3A_250 = tpu.memref_squeeze %dma_start3A_249 : memref<1x256x64xf32, #tpu.memory_space<vmem>> -> memref<256x64xf32, #tpu.memory_space<vmem>>
        tpu.enqueue_dma source(%dma_start3A_250 : memref<256x64xf32, #tpu.memory_space<vmem>>) target(%dma_start3A_246 : memref<256x64xf32, #tpu.memory_space<hbm>>) target_semaphore(%arg11 : memref<!tpu.dma_semaphore, #tpu.memory_space<semaphore_mem>>)
      } else {
      }
      %add3A_196 = arith.constant 3 : i32
      %add3A_197 = arith.addi %add3A_129, %add3A_196 : i32
      %ge3A_198 = arith.constant 4 : i32
      %ge3A_199 = arith.cmpi sge, %add3A_197, %ge3A_198 : i32
      %convert_element_type3A_200 = arith.extui %ge3A_199 : i1 to i32
      %cond3A_201 = arith.constant 0 : i32
      %cond3A_202 = arith.cmpi ne, %convert_element_type3A_200, %cond3A_201 : i32
      scf.if %cond3A_202 {
        %dma_wait3A_219 = arith.constant 3 : i32
        %dma_wait3A_220 = arith.constant 0 : i32
        %dma_wait3A_221 = arith.constant 0 : i32
        %dma_wait3A_222 = tpu.memref_slice %arg6[%dma_wait3A_219, %dma_wait3A_220, %dma_wait3A_221] : memref<4x256x64xf32, #tpu.memory_space<vmem>> -> memref<1x256x64xf32, #tpu.memory_space<vmem>>
        %dma_wait3A_223 = tpu.memref_squeeze %dma_wait3A_222 : memref<1x256x64xf32, #tpu.memory_space<vmem>> -> memref<256x64xf32, #tpu.memory_space<vmem>>
        %dma_wait3A_224 = arith.constant 0 : i32
        %dma_wait3A_225 = arith.constant 0 : i32
        %dma_wait3A_226 = tpu.memref_slice %arg4[%dma_wait3A_224, %dma_wait3A_225] : memref<819200x128xf32, #tpu.memory_space<hbm>> -> memref<256x64xf32, #tpu.memory_space<hbm>>
        %dma_wait3A_227 = arith.constant 0 : i32
        %dma_wait3A_228 = arith.constant 0 : i32
        %dma_wait3A_229 = tpu.memref_slice %arg4[%dma_wait3A_227, %dma_wait3A_228] : memref<819200x128xf32, #tpu.memory_space<hbm>> -> memref<256x64xf32, #tpu.memory_space<hbm>>
        %dma_wait3A_230 = arith.constant 0 : i32
        %dma_wait3A_231 = arith.constant 0 : i32
        %dma_wait3A_232 = tpu.memref_slice %arg6[%dma_wait3A_219, %dma_wait3A_230, %dma_wait3A_231] : memref<4x256x64xf32, #tpu.memory_space<vmem>> -> memref<1x256x64xf32, #tpu.memory_space<vmem>>
        %dma_wait3A_233 = tpu.memref_squeeze %dma_wait3A_232 : memref<1x256x64xf32, #tpu.memory_space<vmem>> -> memref<256x64xf32, #tpu.memory_space<vmem>>
        tpu.wait_dma2 semaphore(%arg14 : memref<!tpu.dma_semaphore, #tpu.memory_space<semaphore_mem>>) src(%dma_wait3A_233 : memref<256x64xf32, #tpu.memory_space<vmem>>) dst(%dma_wait3A_229 : memref<256x64xf32, #tpu.memory_space<hbm>>)
      } else {
      }
      %mul3A_203 = arith.constant 256 : i32
      %mul3A_204 = arith.muli %add3A_197, %mul3A_203 : i32
      %dma_start3A_205 = arith.constant 3 : i32
      %dma_start3A_206 = arith.constant 0 : i32
      %dma_start3A_207 = arith.constant 0 : i32
      %dma_start3A_208 = tpu.memref_slice %arg6[%dma_start3A_205, %dma_start3A_206, %dma_start3A_207] : memref<4x256x64xf32, #tpu.memory_space<vmem>> -> memref<1x256x64xf32, #tpu.memory_space<vmem>>
      %dma_start3A_209 = tpu.memref_squeeze %dma_start3A_208 : memref<1x256x64xf32, #tpu.memory_space<vmem>> -> memref<256x64xf32, #tpu.memory_space<vmem>>
      %dma_start3A_210 = tpu.memref_slice %arg5[%mul3A_204] : memref<25600xi32, #tpu.memory_space<vmem>> -> memref<256xi32, #tpu.memory_space<vmem>>
      %dma_start3A_211 = arith.constant 0 : i32
      %dma_start3A_212 = arith.constant 0 : i32
      %dma_start3A_213 = tpu.memref_slice %arg2[%dma_start3A_211, %dma_start3A_212] : memref<1000000x64xf32, #tpu.memory_space<hbm>> -> memref<1000000x64xf32, #tpu.memory_space<hbm>>
      tpu.enqueue_indirect_dma source(%dma_start3A_213 : memref<1000000x64xf32, #tpu.memory_space<hbm>>) target(%dma_start3A_209 : memref<256x64xf32, #tpu.memory_space<vmem>>) offsets(%dma_start3A_210 : memref<256xi32, #tpu.memory_space<vmem>>) semaphore(%arg10 : memref<!tpu.dma_semaphore, #tpu.memory_space<semaphore_mem>>)
      %ge3A_214 = arith.constant 2 : i32
      %ge3A_215 = arith.cmpi sge, %add3A_197, %ge3A_214 : i32
      %convert_element_type3A_216 = arith.extui %ge3A_215 : i1 to i32
      %cond3A_217 = arith.constant 0 : i32
      %cond3A_218 = arith.cmpi ne, %convert_element_type3A_216, %cond3A_217 : i32
      scf.if %cond3A_218 {
        %dma_wait3A_219 = arith.constant 1 : i32
        %dma_wait3A_220 = arith.constant 0 : i32
        %dma_wait3A_221 = arith.constant 0 : i32
        %dma_wait3A_222 = tpu.memref_slice %arg6[%dma_wait3A_219, %dma_wait3A_220, %dma_wait3A_221] : memref<4x256x64xf32, #tpu.memory_space<vmem>> -> memref<1x256x64xf32, #tpu.memory_space<vmem>>
        %dma_wait3A_223 = tpu.memref_squeeze %dma_wait3A_222 : memref<1x256x64xf32, #tpu.memory_space<vmem>> -> memref<256x64xf32, #tpu.memory_space<vmem>>
        %dma_wait3A_224 = arith.constant 0 : i32
        %dma_wait3A_225 = arith.constant 0 : i32
        %dma_wait3A_226 = tpu.memref_slice %arg2[%dma_wait3A_224, %dma_wait3A_225] : memref<1000000x64xf32, #tpu.memory_space<hbm>> -> memref<256x64xf32, #tpu.memory_space<hbm>>
        %dma_wait3A_227 = arith.constant 0 : i32
        %dma_wait3A_228 = arith.constant 0 : i32
        %dma_wait3A_229 = tpu.memref_slice %arg6[%dma_wait3A_219, %dma_wait3A_227, %dma_wait3A_228] : memref<4x256x64xf32, #tpu.memory_space<vmem>> -> memref<1x256x64xf32, #tpu.memory_space<vmem>>
        %dma_wait3A_230 = tpu.memref_squeeze %dma_wait3A_229 : memref<1x256x64xf32, #tpu.memory_space<vmem>> -> memref<256x64xf32, #tpu.memory_space<vmem>>
        %dma_wait3A_231 = arith.constant 0 : i32
        %dma_wait3A_232 = arith.constant 0 : i32
        %dma_wait3A_233 = tpu.memref_slice %arg2[%dma_wait3A_231, %dma_wait3A_232] : memref<1000000x64xf32, #tpu.memory_space<hbm>> -> memref<256x64xf32, #tpu.memory_space<hbm>>
        tpu.wait_dma2 semaphore(%arg8 : memref<!tpu.dma_semaphore, #tpu.memory_space<semaphore_mem>>) src(%dma_wait3A_233 : memref<256x64xf32, #tpu.memory_space<hbm>>) dst(%dma_wait3A_230 : memref<256x64xf32, #tpu.memory_space<vmem>>)
        %sub3A = arith.constant 2 : i32
        %sub3A_234 = arith.subi %add3A_197, %sub3A : i32
        %mul3A_235 = arith.constant 256 : i32
        %mul3A_236 = arith.muli %sub3A_234, %mul3A_235 : i32
        %add3A_237 = arith.addi %mul3A_2, %mul3A_236 : i32
        %dma_start3A_238 = arith.constant 1 : i32
        %dma_start3A_239 = arith.constant 0 : i32
        %dma_start3A_240 = arith.constant 0 : i32
        %dma_start3A_241 = tpu.memref_slice %arg6[%dma_start3A_238, %dma_start3A_239, %dma_start3A_240] : memref<4x256x64xf32, #tpu.memory_space<vmem>> -> memref<1x256x64xf32, #tpu.memory_space<vmem>>
        %dma_start3A_242 = tpu.memref_squeeze %dma_start3A_241 : memref<1x256x64xf32, #tpu.memory_space<vmem>> -> memref<256x64xf32, #tpu.memory_space<vmem>>
        %dma_start3A_243 = arith.constant 0 : i32
        %dma_start3A_244 = tpu.memref_slice %arg4[%add3A_237, %dma_start3A_243] : memref<819200x128xf32, #tpu.memory_space<hbm>> -> memref<256x64xf32, #tpu.memory_space<hbm>>
        %dma_start3A_245 = arith.constant 0 : i32
        %dma_start3A_246 = tpu.memref_slice %arg4[%add3A_237, %dma_start3A_245] : memref<819200x128xf32, #tpu.memory_space<hbm>> -> memref<256x64xf32, #tpu.memory_space<hbm>>
        %dma_start3A_247 = arith.constant 0 : i32
        %dma_start3A_248 = arith.constant 0 : i32
        %dma_start3A_249 = tpu.memref_slice %arg6[%dma_start3A_238, %dma_start3A_247, %dma_start3A_248] : memref<4x256x64xf32, #tpu.memory_space<vmem>> -> memref<1x256x64xf32, #tpu.memory_space<vmem>>
        %dma_start3A_250 = tpu.memref_squeeze %dma_start3A_249 : memref<1x256x64xf32, #tpu.memory_space<vmem>> -> memref<256x64xf32, #tpu.memory_space<vmem>>
        tpu.enqueue_dma source(%dma_start3A_250 : memref<256x64xf32, #tpu.memory_space<vmem>>) target(%dma_start3A_246 : memref<256x64xf32, #tpu.memory_space<hbm>>) target_semaphore(%arg12 : memref<!tpu.dma_semaphore, #tpu.memory_space<semaphore_mem>>)
      } else {
      }
    }
    %scan3A_6 = arith.constant 25 : i32
    %dma_wait3A = arith.constant 2 : i32
    %dma_wait3A_7 = arith.constant 0 : i32
    %dma_wait3A_8 = arith.constant 0 : i32
    %dma_wait3A_9 = tpu.memref_slice %arg6[%dma_wait3A, %dma_wait3A_7, %dma_wait3A_8] : memref<4x256x64xf32, #tpu.memory_space<vmem>> -> memref<1x256x64xf32, #tpu.memory_space<vmem>>
    %dma_wait3A_10 = tpu.memref_squeeze %dma_wait3A_9 : memref<1x256x64xf32, #tpu.memory_space<vmem>> -> memref<256x64xf32, #tpu.memory_space<vmem>>
    %dma_wait3A_11 = arith.constant 0 : i32
    %dma_wait3A_12 = arith.constant 0 : i32
    %dma_wait3A_13 = tpu.memref_slice %arg2[%dma_wait3A_11, %dma_wait3A_12] : memref<1000000x64xf32, #tpu.memory_space<hbm>> -> memref<256x64xf32, #tpu.memory_space<hbm>>
    %dma_wait3A_14 = arith.constant 0 : i32
    %dma_wait3A_15 = arith.constant 0 : i32
    %dma_wait3A_16 = tpu.memref_slice %arg6[%dma_wait3A, %dma_wait3A_14, %dma_wait3A_15] : memref<4x256x64xf32, #tpu.memory_space<vmem>> -> memref<1x256x64xf32, #tpu.memory_space<vmem>>
    %dma_wait3A_17 = tpu.memref_squeeze %dma_wait3A_16 : memref<1x256x64xf32, #tpu.memory_space<vmem>> -> memref<256x64xf32, #tpu.memory_space<vmem>>
    %dma_wait3A_18 = arith.constant 0 : i32
    %dma_wait3A_19 = arith.constant 0 : i32
    %dma_wait3A_20 = tpu.memref_slice %arg2[%dma_wait3A_18, %dma_wait3A_19] : memref<1000000x64xf32, #tpu.memory_space<hbm>> -> memref<256x64xf32, #tpu.memory_space<hbm>>
    tpu.wait_dma2 semaphore(%arg9 : memref<!tpu.dma_semaphore, #tpu.memory_space<semaphore_mem>>) src(%dma_wait3A_20 : memref<256x64xf32, #tpu.memory_space<hbm>>) dst(%dma_wait3A_17 : memref<256x64xf32, #tpu.memory_space<vmem>>)
    %add3A_21 = arith.constant 25088 : i32
    %add3A_22 = arith.addi %mul3A_2, %add3A_21 : i32
    %dma_start3A = arith.constant 2 : i32
    %dma_start3A_23 = arith.constant 0 : i32
    %dma_start3A_24 = arith.constant 0 : i32
    %dma_start3A_25 = tpu.memref_slice %arg6[%dma_start3A, %dma_start3A_23, %dma_start3A_24] : memref<4x256x64xf32, #tpu.memory_space<vmem>> -> memref<1x256x64xf32, #tpu.memory_space<vmem>>
    %dma_start3A_26 = tpu.memref_squeeze %dma_start3A_25 : memref<1x256x64xf32, #tpu.memory_space<vmem>> -> memref<256x64xf32, #tpu.memory_space<vmem>>
    %dma_start3A_27 = arith.constant 0 : i32
    %dma_start3A_28 = tpu.memref_slice %arg4[%add3A_22, %dma_start3A_27] : memref<819200x128xf32, #tpu.memory_space<hbm>> -> memref<256x64xf32, #tpu.memory_space<hbm>>
    %dma_start3A_29 = arith.constant 0 : i32
    %dma_start3A_30 = tpu.memref_slice %arg4[%add3A_22, %dma_start3A_29] : memref<819200x128xf32, #tpu.memory_space<hbm>> -> memref<256x64xf32, #tpu.memory_space<hbm>>
    %dma_start3A_31 = arith.constant 0 : i32
    %dma_start3A_32 = arith.constant 0 : i32
    %dma_start3A_33 = tpu.memref_slice %arg6[%dma_start3A, %dma_start3A_31, %dma_start3A_32] : memref<4x256x64xf32, #tpu.memory_space<vmem>> -> memref<1x256x64xf32, #tpu.memory_space<vmem>>
    %dma_start3A_34 = tpu.memref_squeeze %dma_start3A_33 : memref<1x256x64xf32, #tpu.memory_space<vmem>> -> memref<256x64xf32, #tpu.memory_space<vmem>>
    tpu.enqueue_dma source(%dma_start3A_34 : memref<256x64xf32, #tpu.memory_space<vmem>>) target(%dma_start3A_30 : memref<256x64xf32, #tpu.memory_space<hbm>>) target_semaphore(%arg13 : memref<!tpu.dma_semaphore, #tpu.memory_space<semaphore_mem>>)
    %dma_wait3A_35 = arith.constant 3 : i32
    %dma_wait3A_36 = arith.constant 0 : i32
    %dma_wait3A_37 = arith.constant 0 : i32
    %dma_wait3A_38 = tpu.memref_slice %arg6[%dma_wait3A_35, %dma_wait3A_36, %dma_wait3A_37] : memref<4x256x64xf32, #tpu.memory_space<vmem>> -> memref<1x256x64xf32, #tpu.memory_space<vmem>>
    %dma_wait3A_39 = tpu.memref_squeeze %dma_wait3A_38 : memref<1x256x64xf32, #tpu.memory_space<vmem>> -> memref<256x64xf32, #tpu.memory_space<vmem>>
    %dma_wait3A_40 = arith.constant 0 : i32
    %dma_wait3A_41 = arith.constant 0 : i32
    %dma_wait3A_42 = tpu.memref_slice %arg2[%dma_wait3A_40, %dma_wait3A_41] : memref<1000000x64xf32, #tpu.memory_space<hbm>> -> memref<256x64xf32, #tpu.memory_space<hbm>>
    %dma_wait3A_43 = arith.constant 0 : i32
    %dma_wait3A_44 = arith.constant 0 : i32
    %dma_wait3A_45 = tpu.memref_slice %arg6[%dma_wait3A_35, %dma_wait3A_43, %dma_wait3A_44] : memref<4x256x64xf32, #tpu.memory_space<vmem>> -> memref<1x256x64xf32, #tpu.memory_space<vmem>>
    %dma_wait3A_46 = tpu.memref_squeeze %dma_wait3A_45 : memref<1x256x64xf32, #tpu.memory_space<vmem>> -> memref<256x64xf32, #tpu.memory_space<vmem>>
    %dma_wait3A_47 = arith.constant 0 : i32
    %dma_wait3A_48 = arith.constant 0 : i32
    %dma_wait3A_49 = tpu.memref_slice %arg2[%dma_wait3A_47, %dma_wait3A_48] : memref<1000000x64xf32, #tpu.memory_space<hbm>> -> memref<256x64xf32, #tpu.memory_space<hbm>>
    tpu.wait_dma2 semaphore(%arg10 : memref<!tpu.dma_semaphore, #tpu.memory_space<semaphore_mem>>) src(%dma_wait3A_49 : memref<256x64xf32, #tpu.memory_space<hbm>>) dst(%dma_wait3A_46 : memref<256x64xf32, #tpu.memory_space<vmem>>)
    %add3A_50 = arith.constant 25344 : i32
    %add3A_51 = arith.addi %mul3A_2, %add3A_50 : i32
    %dma_start3A_52 = arith.constant 3 : i32
    %dma_start3A_53 = arith.constant 0 : i32
    %dma_start3A_54 = arith.constant 0 : i32
    %dma_start3A_55 = tpu.memref_slice %arg6[%dma_start3A_52, %dma_start3A_53, %dma_start3A_54] : memref<4x256x64xf32, #tpu.memory_space<vmem>> -> memref<1x256x64xf32, #tpu.memory_space<vmem>>
    %dma_start3A_56 = tpu.memref_squeeze %dma_start3A_55 : memref<1x256x64xf32, #tpu.memory_space<vmem>> -> memref<256x64xf32, #tpu.memory_space<vmem>>
    %dma_start3A_57 = arith.constant 0 : i32
    %dma_start3A_58 = tpu.memref_slice %arg4[%add3A_51, %dma_start3A_57] : memref<819200x128xf32, #tpu.memory_space<hbm>> -> memref<256x64xf32, #tpu.memory_space<hbm>>
    %dma_start3A_59 = arith.constant 0 : i32
    %dma_start3A_60 = tpu.memref_slice %arg4[%add3A_51, %dma_start3A_59] : memref<819200x128xf32, #tpu.memory_space<hbm>> -> memref<256x64xf32, #tpu.memory_space<hbm>>
    %dma_start3A_61 = arith.constant 0 : i32
    %dma_start3A_62 = arith.constant 0 : i32
    %dma_start3A_63 = tpu.memref_slice %arg6[%dma_start3A_52, %dma_start3A_61, %dma_start3A_62] : memref<4x256x64xf32, #tpu.memory_space<vmem>> -> memref<1x256x64xf32, #tpu.memory_space<vmem>>
    %dma_start3A_64 = tpu.memref_squeeze %dma_start3A_63 : memref<1x256x64xf32, #tpu.memory_space<vmem>> -> memref<256x64xf32, #tpu.memory_space<vmem>>
    tpu.enqueue_dma source(%dma_start3A_64 : memref<256x64xf32, #tpu.memory_space<vmem>>) target(%dma_start3A_60 : memref<256x64xf32, #tpu.memory_space<hbm>>) target_semaphore(%arg14 : memref<!tpu.dma_semaphore, #tpu.memory_space<semaphore_mem>>)
    %dma_wait3A_65 = arith.constant 0 : i32
    %dma_wait3A_66 = arith.constant 0 : i32
    %dma_wait3A_67 = arith.constant 0 : i32
    %dma_wait3A_68 = tpu.memref_slice %arg6[%dma_wait3A_65, %dma_wait3A_66, %dma_wait3A_67] : memref<4x256x64xf32, #tpu.memory_space<vmem>> -> memref<1x256x64xf32, #tpu.memory_space<vmem>>
    %dma_wait3A_69 = tpu.memref_squeeze %dma_wait3A_68 : memref<1x256x64xf32, #tpu.memory_space<vmem>> -> memref<256x64xf32, #tpu.memory_space<vmem>>
    %dma_wait3A_70 = arith.constant 0 : i32
    %dma_wait3A_71 = arith.constant 0 : i32
    %dma_wait3A_72 = tpu.memref_slice %arg4[%dma_wait3A_70, %dma_wait3A_71] : memref<819200x128xf32, #tpu.memory_space<hbm>> -> memref<256x64xf32, #tpu.memory_space<hbm>>
    %dma_wait3A_73 = arith.constant 0 : i32
    %dma_wait3A_74 = arith.constant 0 : i32
    %dma_wait3A_75 = tpu.memref_slice %arg4[%dma_wait3A_73, %dma_wait3A_74] : memref<819200x128xf32, #tpu.memory_space<hbm>> -> memref<256x64xf32, #tpu.memory_space<hbm>>
    %dma_wait3A_76 = arith.constant 0 : i32
    %dma_wait3A_77 = arith.constant 0 : i32
    %dma_wait3A_78 = tpu.memref_slice %arg6[%dma_wait3A_65, %dma_wait3A_76, %dma_wait3A_77] : memref<4x256x64xf32, #tpu.memory_space<vmem>> -> memref<1x256x64xf32, #tpu.memory_space<vmem>>
    %dma_wait3A_79 = tpu.memref_squeeze %dma_wait3A_78 : memref<1x256x64xf32, #tpu.memory_space<vmem>> -> memref<256x64xf32, #tpu.memory_space<vmem>>
    tpu.wait_dma2 semaphore(%arg11 : memref<!tpu.dma_semaphore, #tpu.memory_space<semaphore_mem>>) src(%dma_wait3A_79 : memref<256x64xf32, #tpu.memory_space<vmem>>) dst(%dma_wait3A_75 : memref<256x64xf32, #tpu.memory_space<hbm>>)
    %dma_wait3A_80 = arith.constant 1 : i32
    %dma_wait3A_81 = arith.constant 0 : i32
    %dma_wait3A_82 = arith.constant 0 : i32
    %dma_wait3A_83 = tpu.memref_slice %arg6[%dma_wait3A_80, %dma_wait3A_81, %dma_wait3A_82] : memref<4x256x64xf32, #tpu.memory_space<vmem>> -> memref<1x256x64xf32, #tpu.memory_space<vmem>>
    %dma_wait3A_84 = tpu.memref_squeeze %dma_wait3A_83 : memref<1x256x64xf32, #tpu.memory_space<vmem>> -> memref<256x64xf32, #tpu.memory_space<vmem>>
    %dma_wait3A_85 = arith.constant 0 : i32
    %dma_wait3A_86 = arith.constant 0 : i32
    %dma_wait3A_87 = tpu.memref_slice %arg4[%dma_wait3A_85, %dma_wait3A_86] : memref<819200x128xf32, #tpu.memory_space<hbm>> -> memref<256x64xf32, #tpu.memory_space<hbm>>
    %dma_wait3A_88 = arith.constant 0 : i32
    %dma_wait3A_89 = arith.constant 0 : i32
    %dma_wait3A_90 = tpu.memref_slice %arg4[%dma_wait3A_88, %dma_wait3A_89] : memref<819200x128xf32, #tpu.memory_space<hbm>> -> memref<256x64xf32, #tpu.memory_space<hbm>>
    %dma_wait3A_91 = arith.constant 0 : i32
    %dma_wait3A_92 = arith.constant 0 : i32
    %dma_wait3A_93 = tpu.memref_slice %arg6[%dma_wait3A_80, %dma_wait3A_91, %dma_wait3A_92] : memref<4x256x64xf32, #tpu.memory_space<vmem>> -> memref<1x256x64xf32, #tpu.memory_space<vmem>>
    %dma_wait3A_94 = tpu.memref_squeeze %dma_wait3A_93 : memref<1x256x64xf32, #tpu.memory_space<vmem>> -> memref<256x64xf32, #tpu.memory_space<vmem>>
    tpu.wait_dma2 semaphore(%arg12 : memref<!tpu.dma_semaphore, #tpu.memory_space<semaphore_mem>>) src(%dma_wait3A_94 : memref<256x64xf32, #tpu.memory_space<vmem>>) dst(%dma_wait3A_90 : memref<256x64xf32, #tpu.memory_space<hbm>>)
    %dma_wait3A_95 = arith.constant 2 : i32
    %dma_wait3A_96 = arith.constant 0 : i32
    %dma_wait3A_97 = arith.constant 0 : i32
    %dma_wait3A_98 = tpu.memref_slice %arg6[%dma_wait3A_95, %dma_wait3A_96, %dma_wait3A_97] : memref<4x256x64xf32, #tpu.memory_space<vmem>> -> memref<1x256x64xf32, #tpu.memory_space<vmem>>
    %dma_wait3A_99 = tpu.memref_squeeze %dma_wait3A_98 : memref<1x256x64xf32, #tpu.memory_space<vmem>> -> memref<256x64xf32, #tpu.memory_space<vmem>>
    %dma_wait3A_100 = arith.constant 0 : i32
    %dma_wait3A_101 = arith.constant 0 : i32
    %dma_wait3A_102 = tpu.memref_slice %arg4[%dma_wait3A_100, %dma_wait3A_101] : memref<819200x128xf32, #tpu.memory_space<hbm>> -> memref<256x64xf32, #tpu.memory_space<hbm>>
    %dma_wait3A_103 = arith.constant 0 : i32
    %dma_wait3A_104 = arith.constant 0 : i32
    %dma_wait3A_105 = tpu.memref_slice %arg4[%dma_wait3A_103, %dma_wait3A_104] : memref<819200x128xf32, #tpu.memory_space<hbm>> -> memref<256x64xf32, #tpu.memory_space<hbm>>
    %dma_wait3A_106 = arith.constant 0 : i32
    %dma_wait3A_107 = arith.constant 0 : i32
    %dma_wait3A_108 = tpu.memref_slice %arg6[%dma_wait3A_95, %dma_wait3A_106, %dma_wait3A_107] : memref<4x256x64xf32, #tpu.memory_space<vmem>> -> memref<1x256x64xf32, #tpu.memory_space<vmem>>
    %dma_wait3A_109 = tpu.memref_squeeze %dma_wait3A_108 : memref<1x256x64xf32, #tpu.memory_space<vmem>> -> memref<256x64xf32, #tpu.memory_space<vmem>>
    tpu.wait_dma2 semaphore(%arg13 : memref<!tpu.dma_semaphore, #tpu.memory_space<semaphore_mem>>) src(%dma_wait3A_109 : memref<256x64xf32, #tpu.memory_space<vmem>>) dst(%dma_wait3A_105 : memref<256x64xf32, #tpu.memory_space<hbm>>)
    %dma_wait3A_110 = arith.constant 3 : i32
    %dma_wait3A_111 = arith.constant 0 : i32
    %dma_wait3A_112 = arith.constant 0 : i32
    %dma_wait3A_113 = tpu.memref_slice %arg6[%dma_wait3A_110, %dma_wait3A_111, %dma_wait3A_112] : memref<4x256x64xf32, #tpu.memory_space<vmem>> -> memref<1x256x64xf32, #tpu.memory_space<vmem>>
    %dma_wait3A_114 = tpu.memref_squeeze %dma_wait3A_113 : memref<1x256x64xf32, #tpu.memory_space<vmem>> -> memref<256x64xf32, #tpu.memory_space<vmem>>
    %dma_wait3A_115 = arith.constant 0 : i32
    %dma_wait3A_116 = arith.constant 0 : i32
    %dma_wait3A_117 = tpu.memref_slice %arg4[%dma_wait3A_115, %dma_wait3A_116] : memref<819200x128xf32, #tpu.memory_space<hbm>> -> memref<256x64xf32, #tpu.memory_space<hbm>>
    %dma_wait3A_118 = arith.constant 0 : i32
    %dma_wait3A_119 = arith.constant 0 : i32
    %dma_wait3A_120 = tpu.memref_slice %arg4[%dma_wait3A_118, %dma_wait3A_119] : memref<819200x128xf32, #tpu.memory_space<hbm>> -> memref<256x64xf32, #tpu.memory_space<hbm>>
    %dma_wait3A_121 = arith.constant 0 : i32
    %dma_wait3A_122 = arith.constant 0 : i32
    %dma_wait3A_123 = tpu.memref_slice %arg6[%dma_wait3A_110, %dma_wait3A_121, %dma_wait3A_122] : memref<4x256x64xf32, #tpu.memory_space<vmem>> -> memref<1x256x64xf32, #tpu.memory_space<vmem>>
    %dma_wait3A_124 = tpu.memref_squeeze %dma_wait3A_123 : memref<1x256x64xf32, #tpu.memory_space<vmem>> -> memref<256x64xf32, #tpu.memory_space<vmem>>
    tpu.wait_dma2 semaphore(%arg14 : memref<!tpu.dma_semaphore, #tpu.memory_space<semaphore_mem>>) src(%dma_wait3A_124 : memref<256x64xf32, #tpu.memory_space<vmem>>) dst(%dma_wait3A_120 : memref<256x64xf32, #tpu.memory_space<hbm>>)
    return
  }
}

</mosaic_0001>

<sc_bundles>
// kernel: _emb_lookup.3.cloned.1.call-start
scs
__scs_entry_jumppad:
0x0: {  	(pc) =	sbr.rel $0x88, $3  }
0x1: {  	(tag) =	ssettag $0x0;
	lr =	simm.s32 $0x1  }
0x2: {  	[smem:$0x3F9F] =	sst lr;
	_ =	strace $0xD0000000  }
0x3: {  	_ = 	snop  }
0x4: {  	_ = 	snop  }
0x5: {  	_ = 	snop  }
0x6: {  	_ = 	snop  }
0x7: {  	_ = 	snop  }
__scs_overlays_trampoline_lowered:
0x8: {  	[smem:$0x3FAE] =	sst s0  }
0x9: {  	[smem:$0x3FAF] =	sst s1  }
0xa: {  	[smem:$0x3FB0] =	sst s2  }
0xb: {  	[smem:$0x3FB1] =	sst s3  }
0xc: {  	[smem:$0x3FB2] =	sst s4  }
0xd: {  	[smem:$0x3FB3] =	sst s5  }
0xe: {  	[smem:$0x3FB4] =	sst s6  }
0xf: {  	[smem:$0x3FB5] =	sst s7  }
0x10: {  	[smem:$0x3FB6] =	sst s8  }
0x11: {  	[smem:$0x3FB7] =	sst s9;
	s0 =	simm.s32 @!p0 $0x0  }
0x12: {  	s1 =	sld [smem:$0x3F9D];
	s0 =	simm.s32 @p0 $0x1  }
0x13: {  	[smem:$0x3FB8] =	sst s0;
	s0 =	simm.s32 @!p1 $0x0  }
0x14: {  	s2 =	sld [smem:$0x3F9C];
	s0 =	simm.s32 @p1 $0x1  }
0x15: {  	[smem:$0x3FB9] =	sst s0;
	s0 =	simm.s32 @!p2 $0x0  }
0x16: {  	s3 =	sld [smem:$0x3FDB];
	s0 =	simm.s32 @p2 $0x1  }
0x17: {  	s4 =	simm.s32 $0x1BF5;
	[smem:$0x3FBB] =	sst s0  }
0x18: {  	s0 =	sld [smem:$0x3F9E];
	_ =	swait.ge [sflag:s4], $0x0  }
0x19: {  	s7 =	sld [smem:$0x3F9F]  }
0x1a: {  	s8 =	sadd.s32 $0xFFFFE003, lr  }
0x1b: {  	s9 =	sadd.s32 $0xFFFFFEF7, lr;
	s5 =	simm.s32 $0xFFFFFFFF;
	p2 =	slt.u32 s8, $0xFFFFF086  }
0x1c: {  	p1 =	slt.u32 s9, $0xF7A;
	s5 =	simm.s32 @!p2 $0x0  }
0x1d: {  	s5 =	simm.s32 @p1 $0x1;
	p0 =	seq.s32 s7, s2  }
0x1e: {  	s7 =	smul.u32 @!p0 $0xF7A, s2;
	p2 =	seq.s32 @!p0 s5, $0x0  }
0x1f: {  	s9 =	smul.u32 $0xF7A, s1;
	s8 =	simm.s32 @!p0 $0x1BF5;
	p2 =	por !p2, p0  }
0x20: {  	[sflag:s8] =	ssyncset.s32 @!p0 $0xFFFFF086;
	s6 =	sadd.s32 @!p0 s3, s7;
	s7 =	simm.s32 @!p0 $0x108  }
0x21: {  	s3 =	sadd.s32 s3, s9;
	s6 =	sadd.s32 @!p0 $0x88, s6;
	s7 =	simm.s32 @p2 $0x1082  }
0x22: {  	[simem:s7], [sflag:s8] =	dma.local @!p0 [hbm:s6], $0xF7A  }
0x23: {  	s9 =	sor.u32 $0xD0000000, s2;
	s6 =	simm.s32 $0x108;
	_ =	swait.ge @!p0 [sflag:s8], $0x0  }
0x24: {  	s3 =	sadd.s32 $0x88, s3;
	s6 =	simm.s32 @!p1 $0x1082;
	[sflag:s4] =	ssyncset.s32 $0xFFFFF086  }
0x25: {  	[simem:s6], [sflag:s4] =	dma.local [hbm:s3], $0xF7A  }
0x26: {  	[smem:$0x3F9F] =	sst s1;
	(tag) =	ssettag s2;
	_ =	strace s9  }
0x27: {  	s1 =	sld [smem:$0x3FAF]  }
0x28: {  	s2 =	sld [smem:$0x3FB0]  }
0x29: {  	s4 =	sld [smem:$0x3FB2]  }
0x2a: {  	p0 =	seq.s32 s5, $0x0;
	s5 =	sld [smem:$0x3FB3]  }
0x2b: {  	s6 =	sld [smem:$0x3FB4]  }
0x2c: {  	s7 =	sld [smem:$0x3FB5]  }
0x2d: {  	s3 =	simm.s32 $0x108;
	s8 =	sld [smem:$0x3FB6]  }
0x2e: {  	s3 =	simm.s32 @!p0 $0x1082;
	s9 =	sld [smem:$0x3FB7]  }
0x2f: {  	lr =	sadd.s32 s0, s3;
	s0 =	sld [smem:$0x3FAE]  }
0x30: {  	s3 =	sld [smem:$0x3FB1]  }
0x31: {  	[smem:$0x3FBA] =	sst s10  }
0x32: {  	s10 =	sld [smem:$0x3FB8];
	_ =	sdelay $0x3  }
0x33: {  	p0 =	seq.s32 s10, $0x1;
	s10 =	sld [smem:$0x3FBA];
	_ =	sdelay $0x3  }
0x34: {  	[smem:$0x3FBA] =	sst s10  }
0x35: {  	s10 =	sld [smem:$0x3FB9];
	_ =	sdelay $0x3  }
0x36: {  	p1 =	seq.s32 s10, $0x1;
	s10 =	sld [smem:$0x3FBA];
	_ =	sdelay $0x3  }
0x37: {  	[smem:$0x3FBA] =	sst s10  }
0x38: {  	s10 =	sld [smem:$0x3FBB]  }
0x39: {  	_ = 	snop;
	(pc) =	sbr.ind lr, $3  }
0x3a: {  	_ = 	snop  }
0x3b: {  	_ = 	snop  }
0x3c: {  	p2 =	seq.s32 s10, $0x1;
	s10 =	sld [smem:$0x3FBA]  }
0x3d: {  	_ =	shalt  }
0x3e: {  	_ =	shalt  }
0x3f: {  	_ =	shalt  }
0x40: {  	_ =	shalt  }
0x41: {  	_ =	shalt  }
0x42: {  	_ =	shalt  }
0x43: {  	_ =	shalt  }
0x44: {  	_ =	shalt  }
0x45: {  	_ =	shalt  }
0x46: {  	_ =	shalt  }
0x47: {  	_ =	shalt  }
0x48: {  	_ =	shalt  }
0x49: {  	_ =	shalt  }
0x4a: {  	_ =	shalt  }
0x4b: {  	_ =	shalt  }
0x4c: {  	_ =	shalt  }
0x4d: {  	_ =	shalt  }
0x4e: {  	_ =	shalt  }
0x4f: {  	_ =	shalt  }
0x50: {  	_ =	shalt  }
0x51: {  	_ =	shalt  }
0x52: {  	_ =	shalt  }
0x53: {  	_ =	shalt  }
0x54: {  	_ =	shalt  }
0x55: {  	_ =	shalt  }
0x56: {  	_ =	shalt  }
0x57: {  	_ =	shalt  }
0x58: {  	_ =	shalt  }
0x59: {  	_ =	shalt  }
0x5a: {  	_ =	shalt  }
0x5b: {  	_ =	shalt  }
0x5c: {  	_ =	shalt  }
0x5d: {  	_ =	shalt  }
0x5e: {  	_ =	shalt  }
0x5f: {  	_ =	shalt  }
0x60: {  	_ =	shalt  }
0x61: {  	_ =	shalt  }
0x62: {  	_ =	shalt  }
0x63: {  	_ =	shalt  }
0x64: {  	_ =	shalt  }
0x65: {  	_ =	shalt  }
0x66: {  	_ =	shalt  }
0x67: {  	_ =	shalt  }
0x68: {  	_ =	shalt  }
0x69: {  	_ =	shalt  }
0x6a: {  	_ =	shalt  }
0x6b: {  	_ =	shalt  }
0x6c: {  	_ =	shalt  }
0x6d: {  	_ =	shalt  }
0x6e: {  	_ =	shalt  }
0x6f: {  	_ =	shalt  }
0x70: {  	_ =	shalt  }
0x71: {  	_ =	shalt  }
0x72: {  	_ =	shalt  }
0x73: {  	_ =	shalt  }
0x74: {  	_ =	shalt  }
0x75: {  	_ =	shalt  }
0x76: {  	_ =	shalt  }
0x77: {  	_ =	shalt  }
0x78: {  	_ =	shalt  }
0x79: {  	_ =	shalt  }
0x7a: {  	_ =	shalt  }
0x7b: {  	_ =	shalt  }
0x7c: {  	_ =	shalt  }
0x7d: {  	_ =	shalt  }
0x7e: {  	_ =	shalt  }
0x7f: {  	_ =	shalt  }
0x80: {  	_ =	shalt  }
0x81: {  	_ =	shalt  }
0x82: {  	_ =	shalt  }
0x83: {  	_ =	shalt  }
0x84: {  	_ =	shalt  }
0x85: {  	_ =	shalt  }
0x86: {  	_ =	shalt  }
0x87: {  	_ =	shalt  }
.Lfunc_end0:
.L_simem_size_0:
called_computation_lowered:
.L_overlay_start_0:
0x88: {  	s2 =	sld [smem:$0x3FD9]  }
0x89: {  	s3 =	sld [smem:$0x3FFE];
	_ =	sdelay $0x1  }
0x8a: {  	s1 =	srdreg.scid  }
0x8b: {  	s0 =	sand.u32 $0x1, s1  }
0x8c: {  	s17 =	sshll.u32 s0, $0xA;
	s2 =	sadd.s32 s3, s2  }
0x8d: {  	s2 =	sadd.s32 s2, s17  }
0x8e: {  	[smem:$0x3FC6] =	sst s2  }
0x8f: {  	_ = 	snop  }
0x90: {  	s2 =	sld [smem:$0x3FC9]  }
0x91: {  	s18 =	sld [smem:$0x3FD0];
	(tm) =	ssettm $0x1  }
0x92: {  	s4 =	sld [smem:$0x3FFB];
	_ =	sdelay $0x3  }
0x93: {  	_ =	strace s4  }
0x94: {  	s4 =	sld [smem:$0x3FFC];
	_ =	sdelay $0x3  }
0x95: {  	_ =	strace s4  }
0x96: {  	s4 =	sld [smem:$0x3FFD];
	_ =	sdelay $0x3  }
0x97: {  	_ =	strace s4  }
0x98: {  	_ =	strace $0x8FFFFFFF  }
0x99: {  	s19 =	sld [smem:$0x3FDB];
	_ =	sdelay $0x1  }
0x9a: {  	s5 =	simm.s32 $_scs_section_size  }
0x9b: {  	s6 =	simm.s32 $_size__tile_overlayer_lowered;
	s7 =	simm.s32 $_tile_overlayer_lowered  }
0x9c: {  	s22 =	simm.s32 $0x1BFF;
	s21 =	sshll.u32 s7, $0x1;
	s4 =	sadd.s32 s5, s19  }
0x9d: {  	s8 =	simm.s32 $0x0;
	s20 =	sshll.u32 s6, $0x1;
	s6 =	sadd.s32 s21, s4  }
0x9e: {  	[timem:s8], [sflag:s22] =	dma.local [hbm:s6], s20  }
0x9f: {  	_ =	swait.ge [sflag:s22], s20  }
0xa0: {  	s5 =	ssub.s32 $0x0, s20;
	[sflag:s22] =	ssyncset.done $0x0  }
0xa1: {  	[sflag:s22] =	ssyncadd.s32 s5;
	_ =	sdelay $0x1  }
0xa2: {  	s23 =	simm.s32 $0x1B8B  }
0xa3: {  	_ =	swait.ge [sflag:s23], $0x1  }
0xa4: {  	[sflag:s23] =	ssyncset.done $0x0  }
0xa5: {  	s25 =	simm.s32 $0x1B8E;
	s24 =	sld [smem:$0x3FFE];
	[sflag:s23] =	ssyncadd.s32 $0xFFFFFFFF  }
0xa6: {  	s26 =	simm.s32 $execute0_lowered;
	[smem:$0x3FD2] =	sst s25  }
0xa7: {  	s6 =	sshll.u32 s26, $0x1;
	_ =	strace $0x80000046;
	[dreg:$0x1] =	wrdreg $0xFFFFFFFF  }
0xa8: {  	s28 =	simm.s32 $_size_execute0_lowered;
	s4 =	sadd.s32 s4, s6;
	[dreg:$0x0] =	wrdreg $0x0  }
0xa9: {  	s6 =	sshll.u32 s28, $0x1;
	[dreg:$0x2] =	wrdreg s4  }
0xaa: {  	[dreg:$0x3] =	wrdreg s6  }
0xab: {  	[dreg:$0x4] =	wrdreg $0xC0  }
0xac: {  	_ =	task [dreg:s8], $0x5FFFF  }
0xad: {  	[dreg:$0x1] =	wrdreg $0xFFFFFFFF  }
0xae: {  	[dreg:$0x0] =	wrdreg $0x60  }
0xaf: {  	[dreg:$0x2] =	wrdreg s24  }
0xb0: {  	[dreg:$0x3] =	wrdreg s2  }
0xb1: {  	[dreg:$0x4] =	wrdreg s18  }
0xb2: {  	[dreg:$0x5] =	wrdreg $0x9  }
0xb3: {  	_ =	task.clear_ibuf [dreg:s8], $0x6FFFF;
	_ =	strace $0x90000046  }
0xb4: {  	s29 =	simm.s32 $0x9;
	_ =	strace $0x80000048  }
0xb5: {  	_ =	swait.ge [sflag:s29], $0x1  }
0xb6: {  	[sflag:s29] =	ssyncadd.s32 $0xFFFFFFFF  }
0xb7: {  	_ =	strace $0x90000048  }
0xb8: {  	_ =	sfence  }
0xb9: {  	s30 =	sld [smem:$0x0];
	_ =	sdelay $0x2  }
0xba: {  	s31 =	sshll.u32 s1, $0xD;
	s1 =	sshrl.u32 s1, $0x2  }
0xbb: {  	s3 =	sand.u32 $0x4000, s31;
	s1 =	sadd.s32 s1, s30  }
0xbc: {  	s0 =	sor.u32 s3, s0;
	s1 =	sshll.u32 s1, $0x11  }
0xbd: {  	s0 =	sor.u32 s1, s0  }
0xbe: {  	s0 =	sadd.s32 $0x8F2B, s0  }
0xbf: {  	[sflag:s0] =	ssyncadd.remote.s32 $0x1  }
0xc0: {  	_ =	sfence.sel $0xFFFF  }
0xc1: {  	[dreg:$0x0] =	wrdreg $0xFFFFFFFF;
	(pc) =	sbr.abs _section_cstart, $3  }
0xc2: {  	[dreg:$0x1] =	wrdreg $0xFFFFFFFF  }
0xc3: {  	_ =	task.clear_ibuf [dreg:s8], $0x2FFFF;
	_ =	strace $0x9FFFFFFF  }
0xc4: {  	(tm) =	ssettm $0x7FFFFFFF  }
0xc5: {  	_ =	shalt  }
tec
execute0_lowered:
.L_overlay_start_1:
0x0: {  	(tag) =	ssettag $0x1  }
0x1: {  	s0 =	rddreg [dreg:$0x0]  }
0x2: {  	s1 =	rddreg [dreg:$0x1]  }
0x3: {  	s2 =	rddreg [dreg:$0x2]  }
0x4: {  	s3 =	srdreg.scid;
	s8 =	stileid.u32;
	s5 =	simm.s32 $0x0  }
0x5: {  	s12 =	simm.s32 $0x100;
	s13 =	simm.s32 $0xE400;
	s14 =	simm.s32 $0x1  }
0x6: {  	s15 =	simm.s32 $0x40;
	s16 =	simm.s32 $0x80;
	s30 =	simm.s32 $0x6400  }
0x7: {  	s17 =	simm.s32 $0x12400;
	s31 =	simm.s32 $0xA400;
	s18 =	simm.s32 $0x2  }
0x8: {  	s3 =	sand.u32 $0x1, s3;
	s4 =	sshll.u32 s8, $0x1;
	[smem:$0x7FF] =	sst s5  }
0x9: {  	s25 =	smul.u32 $0xC8000, s8;
	s22 =	sor.u32 s3, s4;
	_ =	strace $0x80000047  }
0xa: {  	s6 =	ssub.s32 $0x2, s3;
	s4 =	sadd.s32 $0xF42800, s0;
	s7 =	smul.u32 $0x320000, s22  }
0xb: {  	[dreg:$0x4] =	wrdreg s30;
	s23 =	sshrl.u32 s6, $0x1;
	s5 =	smul.u32 $0x6400, s22  }
0xc: {  	s3 =	smul.u32 $0x64000, s3;
	[dreg:$0x5] =	wrdreg s31;
	s0 =	ssub.s32 s6, s23  }
0xd: {  	s24 =	sshrl.u32 s7, $0x3;
	s26 =	sshrl.u32 s5, $0x3;
	s0 =	smax.u32 s0, $0x1  }
0xe: {  	s6 =	sadd.s32 s2, s24;
	s1 =	sadd.s32 s1, s26;
	[dreg:$0x9] =	wrdreg s0  }
0xf: {  	s10 =	sadd.s32 s3, s25;
	[dreg:$0x6] =	wrdreg s1;
	s28 =	sadd.s32 $0x62000, s6  }
0x10: {  	s23 =	simm.s32 $0x7;
	s29 =	sadd.s32 $0x63000, s6;
	[dreg:$0x7] =	wrdreg s28  }
0x11: {  	s25 =	simm.s32 $0x0;
	s24 =	simm.s32 $0x8;
	[dreg:$0x8] =	wrdreg s29  }
.LBB2_1:
0x12: {  	s0 =	simm.s32 $0x0;
	s1 =	rddreg [dreg:$0x6];
	p1 =	por $0x0, $0x0  }
0x13: {  	s20 =	simm.s32 $0x9;
	s26 =	simm.s32 $0x1000;
	s29 =	sadd.s32 $0x4000, s10  }
0x14: {  	[tilespmem:s0], [sflag:$0x9] =	stream.linear.gather [hbm4b:s1+s0], $0x6400, $0x38;
	[tilespmem:$0x16400] =	vst v63  }
0x15: {  	s30 =	simm.s32 $0x2000;
	s0 =	sadd.s32 @p1 $0x1FFFE000, s10;
	_ =	swait.ge [sflag:s20], $0x6400  }
0x16: {  	p0 =	por p1, p1;
	s3 =	sadd.s32 @p1 $0x1FFFF000, s10;
	[sflag:s20] =	ssyncset.done $0x0  }
0x17: {  	s0 =	sand.u32 @p1 $0x1FFFE000, s0;
	s1 =	simm.s32 @p0 $0x5;
	[sflag:s20] =	ssyncadd.s32 $0xFFFF9C00  }
0x18: {  	s6 =	simm.s32 @p0 $0x6400;
	s7 =	simm.s32 @p0 $0x3;
	_ =	swait.ge @p0 [sflag:s1], $0x4000  }
0x19: {  	s8 =	simm.s32 @p0 $0x100;
	s9 =	simm.s32 @p0 $0xE400;
	[sflag:s1] =	ssyncset.done @p0 $0x0  }
0x1a: {  	s28 =	simm.s32 @p0 $0x80;
	[sflag:s1] =	ssyncadd.s32 @p0 $0xFFFFC000;
	s1 =	simm.s32 @p0 $0x0  }
0x1b: {  	[tilespmem:s6], [sflag:$0x1] =	stream.indirect.gather @p0 [hbm4b:s4+s8], $0x40, s1, s8, $0xb8;
	[tilespmem:$0x16400] =	vst v63  }
0x1c: {  	s0 =	sadd.s32 @p1 s2, s0;
	s1 =	sand.u32 @p1 $0x1FFFF000, s3;
	_ =	swait.ge @p0 [sflag:s7], $0x4000  }
0x1d: {  	s3 =	simm.s32 $0x0;
	s6 =	simm.s32 @p0 $0x6;
	[sflag:s7] =	ssyncset.done @p0 $0x0  }
0x1e: {  	s3 =	simm.s32 @!p1 $0x0;
	[sflag:s7] =	ssyncadd.s32 @p0 $0xFFFFC000;
	s7 =	simm.s32 @p0 $0x40  }
0x1f: {  	[hbm4b:s0+s7] =	stream.strided.scatter @p0 [tilespmem:s9], [sflag:$0x7], $0x4000, s28, s7, $0x38;
	[tilespmem:$0x16400] =	vst v63  }
0x20: {  	s21 =	sadd.s32 s5, s3;
	s3 =	simm.s32 @p0 $0x100;
	_ =	swait.ge @p0 [sflag:s6], $0x4000  }
0x21: {  	s0 =	sadd.s32 @p1 s2, s1;
	s9 =	simm.s32 @p0 $0x4;
	[sflag:s6] =	ssyncset.done @p0 $0x0  }
0x22: {  	s1 =	sshll.u32 s21, $0x4;
	[sflag:s6] =	ssyncadd.s32 @p0 $0xFFFFC000;
	s6 =	simm.s32 @p0 $0xA400  }
0x23: {  	[tilespmem:s6], [sflag:$0x2] =	stream.indirect.gather @p0 [hbm4b:s4+s8], $0x40, s3, s8, $0xb8;
	[tilespmem:$0x16400] =	vst v63  }
0x24: {  	s20 =	simm.s32 $0x200;
	s22 =	sand.u32 $0x1FFFC000, s1;
	_ =	swait.ge @p0 [sflag:s9], $0x4000  }
0x25: {  	s1 =	simm.s32 @p0 $0x12400;
	s3 =	simm.s32 @p1 $0x100;
	[sflag:s9] =	ssyncset.done @p0 $0x0  }
0x26: {  	s8 =	simm.s32 @p0 $0x7;
	s3 =	simm.s32 @!p1 $0x100;
	[sflag:s9] =	ssyncadd.s32 @p0 $0xFFFFC000  }
0x27: {  	[hbm4b:s0+s7] =	stream.strided.scatter @p0 [tilespmem:s1], [sflag:$0x8], $0x4000, s28, s7, $0x38;
	[tilespmem:$0x16400] =	vst v63  }
0x28: {  	s6 =	sadd.s32 s2, s22;
	s11 =	sadd.s32 s5, s3;
	_ =	swait.ge @p0 [sflag:s8], $0x4000  }
0x29: {  	s3 =	simm.s32 @!p0 $0x100;
	s1 =	simm.s32 @!p0 $0x6400;
	[sflag:s8] =	ssyncset.done @p0 $0x0  }
0x2a: {  	s7 =	simm.s32 @!p0 $0x0;
	s0 =	sshll.u32 s11, $0x4;
	[sflag:s8] =	ssyncadd.s32 @p0 $0xFFFFC000  }
0x2b: {  	[tilespmem:s1], [sflag:$0x1] =	stream.indirect.gather @!p0 [hbm4b:s4+s3], $0x40, s7, s3, $0xb8;
	[tilespmem:$0x16400] =	vst v63  }
0x2c: {  	p1 =	por $0x1, $0x1;
	s19 =	sand.u32 $0x1FFFD000, s0;
	s7 =	simm.s32 @!p0 $0xA400  }
0x2d: {  	[tilespmem:s7], [sflag:$0x2] =	stream.indirect.gather @!p0 [hbm4b:s4+s3], $0x40, s3, s3, $0xb8;
	[tilespmem:$0x16400] =	vst v63  }
0x2e: {  	s22 =	simm.s32 $0x300;
	s9 =	sadd.s32 s2, s19;
	s1 =	sadd.s32 @p1 $0x1FFFE000, s29  }
0x2f: {  	[tilespmem:s13], [sflag:$0x3] =	stream.indirect.gather [hbm4b:s4+s12], $0x40, s20, s12, $0xb8;
	[tilespmem:$0x16400] =	vst v63  }
0x30: {  	s0 =	sand.u32 @p1 $0x1FFFE000, s1;
	s7 =	simm.s32 $0x400;
	_ =	swait.ge [sflag:s14], $0x4000  }
0x31: {  	s1 =	sadd.s32 @p1 s2, s0;
	s0 =	sadd.s32 @p1 $0x1FFFF000, s29;
	[sflag:s14] =	ssyncset.done $0x0  }
0x32: {  	p0 =	por $0x1, $0x1;
	s21 =	rddreg [dreg:$0x4];
	[sflag:s14] =	ssyncadd.s32 $0xFFFFC000  }
0x33: {  	[hbm4b:s6+s15] =	stream.strided.scatter [tilespmem:s21], [sflag:$0x5], $0x4000, s16, s15, $0x38;
	[tilespmem:$0x16400] =	vst v63  }
0x34: {  	s0 =	sand.u32 @p1 $0x1FFFF000, s0;
	s7 =	simm.s32 @!p1 $0x0;
	s6 =	simm.s32 @!p0 $0x8  }
0x35: {  	s31 =	sadd.s32 @p1 s2, s0;
	s0 =	simm.s32 @p1 $0x500;
	_ =	swait.ge @!p0 [sflag:s6], $0x4000  }
0x36: {  	s7 =	sadd.s32 s5, s7;
	s0 =	simm.s32 @!p1 $0x100;
	[sflag:s6] =	ssyncset.done @!p0 $0x0  }
0x37: {  	s7 =	sshll.u32 s7, $0x4;
	s0 =	sadd.s32 s5, s0;
	[sflag:s6] =	ssyncadd.s32 @!p0 $0xFFFFC000  }
0x38: {  	[tilespmem:s17], [sflag:$0x4] =	stream.indirect.gather [hbm4b:s4+s12], $0x40, s22, s12, $0xb8;
	[tilespmem:$0x16400] =	vst v63  }
0x39: {  	s28 =	sand.u32 $0x1FFFC000, s7;
	s0 =	sshll.u32 s0, $0x4;
	_ =	swait.ge [sflag:s18], $0x4000  }
0x3a: {  	s6 =	sand.u32 $0x1FFFD000, s0;
	p0 =	por p1, p1;
	[sflag:s18] =	ssyncset.done $0x0  }
0x3b: {  	s0 =	simm.s32 $0x800;
	s8 =	rddreg [dreg:$0x5];
	[sflag:s18] =	ssyncadd.s32 $0xFFFFC000  }
.LBB2_2:
0x3c: {  	p1 =	sne.s32 s30, $0x0  }
0x3d: {  	s11 =	simm.s32 @p0 $0x5;
	s29 =	sadd.s32 $0x4000, s29;
	s3 =	smov.u32 s6  }
0x3e: {  	[hbm4b:s9+s15] =	stream.strided.scatter [tilespmem:s8], [sflag:$0x6], $0x4000, s16, s15, $0x38;
	[tilespmem:$0x16400] =	vst v63  }
0x3f: {  	s8 =	simm.s32 @p0 $0x6;
	s9 =	simm.s32 @p0 $0x6400;
	_ =	swait.ge @p0 [sflag:s11], $0x4000  }
0x40: {  	s19 =	simm.s32 @p0 $0x3;
	s20 =	simm.s32 @p0 $0x100;
	[sflag:s11] =	ssyncset.done @p0 $0x0  }
0x41: {  	s21 =	simm.s32 @p0 $0x80;
	[sflag:s11] =	ssyncadd.s32 @p0 $0xFFFFC000;
	s11 =	sshra.s32 @p0 s26, $0x2  }
0x42: {  	[tilespmem:s9], [sflag:$0x1] =	stream.indirect.gather @p0 [hbm4b:s4+s20], $0x40, s11, s20, $0xb8;
	[tilespmem:$0x16400] =	vst v63  }
0x43: {  	s22 =	simm.s32 @p0 $0x4;
	s6 =	sadd.s32 @p1 $0x1FFFE000, s29;
	_ =	swait.ge @p0 [sflag:s19], $0x4000  }
0x44: {  	s6 =	sand.u32 @p1 $0x1FFFE000, s6;
	s9 =	sadd.s32 @p0 $0x100, s11;
	[sflag:s19] =	ssyncset.done @p0 $0x0  }
0x45: {  	s11 =	simm.s32 @p0 $0xE400;
	[sflag:s19] =	ssyncadd.s32 @p0 $0xFFFFC000;
	s19 =	simm.s32 @p0 $0x40  }
0x46: {  	[hbm4b:s1+s19] =	stream.strided.scatter @p0 [tilespmem:s11], [sflag:$0x7], $0x4000, s21, s19, $0x38;
	[tilespmem:$0x16400] =	vst v63  }
0x47: {  	s6 =	sadd.s32 @p1 s2, s6;
	s1 =	sadd.s32 @p1 $0x1FFFF000, s29;
	_ =	swait.ge @p0 [sflag:s8], $0x4000  }
0x48: {  	s11 =	smov.u32 s0;
	s1 =	sand.u32 @p1 $0x1FFFF000, s1;
	[sflag:s8] =	ssyncset.done @p0 $0x0  }
0x49: {  	s11 =	simm.s32 @!p1 $0x0;
	[sflag:s8] =	ssyncadd.s32 @p0 $0xFFFFC000;
	s8 =	simm.s32 @p0 $0xA400  }
0x4a: {  	[tilespmem:s8], [sflag:$0x2] =	stream.indirect.gather @p0 [hbm4b:s4+s20], $0x40, s9, s20, $0xb8;
	[tilespmem:$0x16400] =	vst v63  }
0x4b: {  	s8 =	sadd.s32 @p1 s2, s1;
	s20 =	sadd.s32 s5, s11;
	_ =	swait.ge @p0 [sflag:s22], $0x4000  }
0x4c: {  	s9 =	simm.s32 @p0 $0x12400;
	s11 =	simm.s32 @p0 $0x7;
	[sflag:s22] =	ssyncset.done @p0 $0x0  }
0x4d: {  	s1 =	sshll.u32 s20, $0x4;
	s20 =	simm.s32 @!p0 $0x0;
	[sflag:s22] =	ssyncadd.s32 @p0 $0xFFFFC000  }
0x4e: {  	[hbm4b:s31+s19] =	stream.strided.scatter @p0 [tilespmem:s9], [sflag:$0x8], $0x4000, s21, s19, $0x38;
	[tilespmem:$0x16400] =	vst v63  }
0x4f: {  	s9 =	sadd.s32 @p1 $0x100, s0;
	s19 =	sand.u32 $0x1FFFC000, s1;
	_ =	swait.ge @p0 [sflag:s11], $0x4000  }
0x50: {  	s1 =	simm.s32 @!p0 $0x6400;
	s31 =	smov.u32 s8;
	[sflag:s11] =	ssyncset.done @p0 $0x0  }
0x51: {  	s9 =	simm.s32 @!p1 $0x100;
	[sflag:s11] =	ssyncadd.s32 @p0 $0xFFFFC000;
	s11 =	simm.s32 @!p0 $0x100  }
0x52: {  	[tilespmem:s1], [sflag:$0x1] =	stream.indirect.gather @!p0 [hbm4b:s4+s11], $0x40, s20, s11, $0xb8;
	[tilespmem:$0x16400] =	vst v63  }
0x53: {  	s22 =	sadd.s32 s5, s9;
	s9 =	simm.s32 @!p0 $0xA400;
	s20 =	sshra.s32 s26, $0x2  }
0x54: {  	[tilespmem:s9], [sflag:$0x2] =	stream.indirect.gather @!p0 [hbm4b:s4+s11], $0x40, s11, s11, $0xb8;
	[tilespmem:$0x16400] =	vst v63  }
0x55: {  	s21 =	sshll.u32 s22, $0x4;
	s1 =	smov.u32 s6;
	s22 =	sadd.s32 $0x200, s20  }
0x56: {  	[tilespmem:s13], [sflag:$0x3] =	stream.indirect.gather [hbm4b:s4+s12], $0x40, s22, s12, $0xb8;
	[tilespmem:$0x16400] =	vst v63  }
0x57: {  	s6 =	sand.u32 $0x1FFFD000, s21;
	s21 =	sadd.s32 s2, s28;
	_ =	swait.ge [sflag:s14], $0x4000  }
0x58: {  	p0 =	por p1, p1;
	p1 =	seq.s32 s26, $0x0;
	[sflag:s14] =	ssyncset.done $0x0  }
0x59: {  	s8 =	simm.s32 @!p1 $0x8;
	s11 =	rddreg [dreg:$0x4];
	[sflag:s14] =	ssyncadd.s32 $0xFFFFC000  }
0x5a: {  	[hbm4b:s21+s15] =	stream.strided.scatter [tilespmem:s11], [sflag:$0x5], $0x4000, s16, s15, $0x38;
	[tilespmem:$0x16400] =	vst v63  }
0x5b: {  	s7 =	smov.u32 s30;
	s30 =	sadd.s32 $0x1000, s30;
	_ =	swait.ge @!p1 [sflag:s8], $0x4000  }
0x5c: {  	p2 =	sne.s32 s30, $0x19000;
	[sflag:s8] =	ssyncset.done @!p1 $0x0  }
.Ltmp0:
0x5d: {  	s22 =	sadd.s32 $0x300, s20;
	[sflag:s8] =	ssyncadd.s32 @!p1 $0xFFFFC000;
	(pc) =	sbr.rel @p2 .LBB2_2-.Ltmp0, $4  }
0x5e: {  	[tilespmem:s17], [sflag:$0x4] =	stream.indirect.gather [hbm4b:s4+s12], $0x40, s22, s12, $0xb8;
	[tilespmem:$0x16400] =	vst v63  }
0x5f: {  	s0 =	sadd.s32 $0x400, s0;
	_ =	swait.ge [sflag:s18], $0x4000  }
0x60: {  	s28 =	smov.u32 s19;
	s26 =	smov.u32 s7;
	[sflag:s18] =	ssyncset.done $0x0  }
0x61: {  	s9 =	sadd.s32 s2, s3;
	s8 =	rddreg [dreg:$0x5];
	[sflag:s18] =	ssyncadd.s32 $0xFFFFC000  }
0x62: {  	s0 =	simm.s32 @p0 $0x5  }
0x63: {  	[hbm4b:s9+s15] =	stream.strided.scatter [tilespmem:s8], [sflag:$0x6], $0x4000, s16, s15, $0x38;
	[tilespmem:$0x16400] =	vst v63  }
0x64: {  	_ =	swait.ge @p0 [sflag:s0], $0x4000  }
0x65: {  	s3 =	simm.s32 @p0 $0x6400;
	s7 =	simm.s32 @p0 $0x3;
	[sflag:s0] =	ssyncset.done @p0 $0x0  }
0x66: {  	s8 =	simm.s32 @p0 $0x100;
	[sflag:s0] =	ssyncadd.s32 @p0 $0xFFFFC000;
	s0 =	sshra.s32 @p0 s26, $0x2  }
0x67: {  	[tilespmem:s3], [sflag:$0x1] =	stream.indirect.gather @p0 [hbm4b:s4+s8], $0x40, s0, s8, $0xb8;
	[tilespmem:$0x16400] =	vst v63  }
0x68: {  	_ =	swait.ge @p0 [sflag:s7], $0x4000  }
0x69: {  	s9 =	simm.s32 @p0 $0x80;
	[sflag:s7] =	ssyncset.done @p0 $0x0  }
0x6a: {  	s3 =	simm.s32 @p0 $0xE400;
	[sflag:s7] =	ssyncadd.s32 @p0 $0xFFFFC000;
	s7 =	simm.s32 @p0 $0x40  }
0x6b: {  	[hbm4b:s1+s7] =	stream.strided.scatter @p0 [tilespmem:s3], [sflag:$0x7], $0x4000, s9, s7, $0x38;
	[tilespmem:$0x16400] =	vst v63  }
0x6c: {  	s1 =	simm.s32 @p0 $0x6  }
0x6d: {  	_ =	swait.ge @p0 [sflag:s1], $0x4000  }
0x6e: {  	[sflag:s1] =	ssyncset.done @p0 $0x0  }
0x6f: {  	s0 =	sadd.s32 @p0 $0x100, s0;
	[sflag:s1] =	ssyncadd.s32 @p0 $0xFFFFC000;
	s1 =	simm.s32 @p0 $0xA400  }
0x70: {  	[tilespmem:s1], [sflag:$0x2] =	stream.indirect.gather @p0 [hbm4b:s4+s8], $0x40, s0, s8, $0xb8;
	[tilespmem:$0x16400] =	vst v63  }
0x71: {  	s0 =	simm.s32 @p0 $0x4  }
0x72: {  	_ =	swait.ge @p0 [sflag:s0], $0x4000  }
0x73: {  	[sflag:s0] =	ssyncset.done @p0 $0x0  }
0x74: {  	[sflag:s0] =	ssyncadd.s32 @p0 $0xFFFFC000;
	s0 =	simm.s32 @p0 $0x12400  }
0x75: {  	[hbm4b:s31+s7] =	stream.strided.scatter @p0 [tilespmem:s0], [sflag:$0x8], $0x4000, s9, s7, $0x38;
	[tilespmem:$0x16400] =	vst v63  }
0x76: {  	s0 =	simm.s32 @p0 $0x7  }
0x77: {  	_ =	swait.ge @p0 [sflag:s0], $0x4000  }
0x78: {  	s3 =	simm.s32 @!p0 $0x0;
	[sflag:s0] =	ssyncset.done @p0 $0x0  }
0x79: {  	s1 =	simm.s32 @!p0 $0x6400;
	[sflag:s0] =	ssyncadd.s32 @p0 $0xFFFFC000;
	s0 =	simm.s32 @!p0 $0x100  }
0x7a: {  	[tilespmem:s1], [sflag:$0x1] =	stream.indirect.gather @!p0 [hbm4b:s4+s0], $0x40, s3, s0, $0xb8;
	[tilespmem:$0x16400] =	vst v63  }
0x7b: {  	s7 =	sshra.s32 s26, $0x2;
	s1 =	simm.s32 @!p0 $0xA400  }
0x7c: {  	[tilespmem:s1], [sflag:$0x2] =	stream.indirect.gather @!p0 [hbm4b:s4+s0], $0x40, s0, s0, $0xb8;
	[tilespmem:$0x16400] =	vst v63  }
0x7d: {  	s8 =	sadd.s32 $0x200, s7  }
0x7e: {  	[tilespmem:s13], [sflag:$0x3] =	stream.indirect.gather [hbm4b:s4+s12], $0x40, s8, s12, $0xb8;
	[tilespmem:$0x16400] =	vst v63  }
0x7f: {  	_ =	swait.ge [sflag:s14], $0x4000  }
0x80: {  	s11 =	sadd.s32 s2, s28;
	p0 =	seq.s32 s26, $0x0;
	[sflag:s14] =	ssyncset.done $0x0  }
0x81: {  	s1 =	simm.s32 @!p0 $0x8;
	s9 =	rddreg [dreg:$0x4];
	[sflag:s14] =	ssyncadd.s32 $0xFFFFC000  }
0x82: {  	[hbm4b:s11+s15] =	stream.strided.scatter [tilespmem:s9], [sflag:$0x5], $0x4000, s16, s15, $0x38;
	[tilespmem:$0x16400] =	vst v63  }
0x83: {  	_ =	swait.ge @!p0 [sflag:s1], $0x4000  }
0x84: {  	[sflag:s1] =	ssyncset.done @!p0 $0x0  }
0x85: {  	s0 =	sadd.s32 $0x300, s7;
	[sflag:s1] =	ssyncadd.s32 @!p0 $0xFFFFC000  }
0x86: {  	[tilespmem:s17], [sflag:$0x4] =	stream.indirect.gather [hbm4b:s4+s12], $0x40, s0, s12, $0xb8;
	[tilespmem:$0x16400] =	vst v63  }
0x87: {  	_ =	swait.ge [sflag:s18], $0x4000  }
0x88: {  	s20 =	sadd.s32 s2, s6;
	[sflag:s18] =	ssyncset.done $0x0  }
0x89: {  	s21 =	simm.s32 $0x3;
	s19 =	rddreg [dreg:$0x5];
	[sflag:s18] =	ssyncadd.s32 $0xFFFFC000  }
0x8a: {  	[hbm4b:s20+s15] =	stream.strided.scatter [tilespmem:s19], [sflag:$0x6], $0x4000, s16, s15, $0x38;
	[tilespmem:$0x16400] =	vst v63  }
0x8b: {  	_ =	swait.ge [sflag:s21], $0x4000  }
0x8c: {  	[sflag:s21] =	ssyncset.done $0x0  }
0x8d: {  	s26 =	simm.s32 $0x4;
	s22 =	rddreg [dreg:$0x7];
	[sflag:s21] =	ssyncadd.s32 $0xFFFFC000  }
0x8e: {  	[hbm4b:s22+s15] =	stream.strided.scatter [tilespmem:s13], [sflag:$0x7], $0x4000, s16, s15, $0x38;
	[tilespmem:$0x16400] =	vst v63  }
0x8f: {  	_ =	swait.ge [sflag:s26], $0x4000  }
0x90: {  	[sflag:s26] =	ssyncset.done $0x0  }
0x91: {  	s29 =	simm.s32 $0x5;
	s28 =	rddreg [dreg:$0x8];
	[sflag:s26] =	ssyncadd.s32 $0xFFFFC000  }
0x92: {  	[hbm4b:s28+s15] =	stream.strided.scatter [tilespmem:s17], [sflag:$0x8], $0x4000, s16, s15, $0x38;
	[tilespmem:$0x16400] =	vst v63  }
0x93: {  	_ =	swait.ge [sflag:s29], $0x4000  }
0x94: {  	[sflag:s29] =	ssyncset.done $0x0  }
0x95: {  	s30 =	simm.s32 $0x6;
	[sflag:s29] =	ssyncadd.s32 $0xFFFFC000  }
0x96: {  	_ =	swait.ge [sflag:s30], $0x4000  }
0x97: {  	[sflag:s30] =	ssyncset.done $0x0  }
0x98: {  	[sflag:s30] =	ssyncadd.s32 $0xFFFFC000  }
0x99: {  	_ =	swait.ge [sflag:s23], $0x4000  }
0x9a: {  	[sflag:s23] =	ssyncset.done $0x0  }
0x9b: {  	[sflag:s23] =	ssyncadd.s32 $0xFFFFC000  }
0x9c: {  	_ =	swait.ge [sflag:s24], $0x4000  }
0x9d: {  	s25 =	sadd.s32 $0x1, s25;
	s31 =	rddreg [dreg:$0x9]  }
0x9e: {  	p0 =	sne.s32 s25, s31  }
.Ltmp1:
0x9f: {  	_ = 	snop;
	(pc) =	sbr.rel @p0 .LBB2_1-.Ltmp1, $3  }
0xa0: {  	_ =	sdelay $0x1  }
0xa1: {  	[sflag:s24] =	ssyncset.done $0x0  }
0xa2: {  	[sflag:s24] =	ssyncadd.s32 $0xFFFFC000  }
0xa3: {  	_ =	sfence.sel $0x180000  }
0xa4: {  	[bflag:$0x0] =	sbarrier.arrive $0xFFFF  }
0xa5: {  	_ =	strace $0x90000047  }
0xa6: {  	s0 =	stileid.u32;
	[bflag:$0x2] =	sbarrier.arrive $0xFFFF  }
0xa7: {  	p0 =	sne.s32 s0, $0x0;
	s0 =	rddreg [dreg:$0x3]  }
0xa8: {  	s0 =	sadd.s32 @!p0 $0x100000, s0  }
0xa9: {  	[sflag:s0] =	ssyncadd.tile.s32 @!p0 $0x1;
	_ =	shalt  }
.Lfunc_end2:
_tile_overlayer_lowered:
.L_overlay_start_2:
0xaa: {  	(tag) =	ssettag $0x2  }
0xab: {  	s0 =	rddreg [dreg:$0x0];
	s2 =	stileid.u32  }
0xac: {  	s1 =	rddreg [dreg:$0x1];
	p0 =	sne.s32 s2, $0x0  }
0xad: {  	s3 =	rddreg [dreg:$0x2];
	[bflag:$0x3] =	sbarrier.arrive $0xFFFF;
	s2 =	simm.s32 @!p0 $0x1C09  }
0xae: {  	[timem:s3], [sflag:s2] =	dma.local @!p0 [hbm:s0], s1  }
0xaf: {  	s0 =	simm.s32 @!p0 $0x9  }
0xb0: {  	_ =	swait.ge @!p0 [sflag:s0], s1  }
0xb1: {  	s1 =	ssub.s32 @!p0 $0x0, s1;
	[sflag:s0] =	ssyncset.done @!p0 $0x0  }
0xb2: {  	[sflag:s0] =	ssyncadd.s32 @!p0 s1  }
0xb3: {  	[bflag:$0x3] =	sbarrier.arrive $0xFFFF  }
0xb4: {  	_ =	shalt  }

</sc_bundles>
